<compile_context>
chip_gen: v7x
topology: tpu7x:2x2x1
jax: 0.10.2.dev20260603
libtpu: 0.0.44.dev20260713+nightly
codegen_flags: <defaults>
</compile_context>

<pallas_src>
import functools
import math

import jax
import jax.numpy as jnp
from jax import lax
from jax.experimental import pallas as pl
from jax.experimental.pallas import tpu as pltpu
from jax.experimental.pallas import tpu_sc as plsc

_B, _N, _K = 4, 4096, 16



@functools.lru_cache(maxsize=None)
def _make_sc_gather(V, D, Brows):
    NW = 32
    CH = 128
    bpw = Brows // NW
    assert Brows % NW == 0 and bpw % 8 == 0
    nfull, tail = divmod(bpw, CH)
    mesh = plsc.VectorSubcoreMesh(core_axis_name="c", subcore_axis_name="s")

    @functools.partial(
        pl.kernel, mesh=mesh,
        out_type=jax.ShapeDtypeStruct((Brows, D), jnp.float32),
        compiler_params=pltpu.CompilerParams(use_tc_tiling_on_sc=False),
        scratch_types=[
            pltpu.VMEM((CH,), jnp.int32),
            pltpu.VMEM((CH, D), jnp.float32),
            pltpu.SemaphoreType.DMA,
        ],
    )
    def k(table_hbm, idx_hbm, out_hbm, idx_v, rows_v, sem):
        wid = lax.axis_index("s") * 2 + lax.axis_index("c")
        base = wid * bpw

        def do_chunk(off, sz):
            pltpu.sync_copy(idx_hbm.at[pl.ds(off, sz)], idx_v.at[pl.ds(0, sz)])
            pltpu.async_copy(table_hbm.at[idx_v.at[pl.ds(0, sz)]],
                             rows_v.at[pl.ds(0, sz)], sem).wait()
            pltpu.sync_copy(rows_v.at[pl.ds(0, sz)], out_hbm.at[pl.ds(off, sz)])

        def body(i, _):
            do_chunk(base + i * CH, CH)
            return 0

        lax.fori_loop(0, nfull, body, 0)
        if tail:
            do_chunk(base + nfull * CH, tail)

    return k


def _sc_gather(table, idx):
    V, D = table.shape
    return _make_sc_gather(V, D, idx.shape[0])(table, idx)


def _lrelu(x, s):
    return jnp.where(x >= 0.0, x, s * x)



def _topk_body(pts_ref, qT_ref, qn_ref, idx_ref, val_ref, d2_ref, *, k, nb,
               flat_base, rmax):
    n = pts_ref.shape[1]
    R = qT_ref.shape[2]
    b = pl.program_id(0)
    pts = pts_ref[0]
    pn = jnp.sum(pts * pts, axis=1)
    mm = jnp.dot(pts, qT_ref[0], preferred_element_type=jnp.float32)
    d2_ref[...] = pn[:, None] + qn_ref[0] - 2.0 * mm
    subiota = lax.broadcasted_iota(jnp.int32, (n, R), 0)

    def step(s):
        d2c = d2_ref[...]
        mv = jnp.min(d2c, axis=0)
        li = jnp.min(jnp.where(d2c == mv[None, :], subiota, n), axis=0)
        d2_ref[...] = jnp.where(subiota == li[None, :], jnp.inf, d2c)
        val_ref[0, pl.ds(s, 1), :] = mv[None, :]
        gidx = li + b * nb if flat_base else li
        idx_ref[0, pl.ds(s, 1), :] = gidx[None, :]
        return mv

    if rmax is None:
        def fbody(s, _):
            step(s)
            return 0
        lax.fori_loop(0, k, fbody, 0, unroll=False)
    else:
        val_ref[0] = jnp.full((k, R), jnp.inf, jnp.float32)
        idx_ref[0] = jnp.full((k, R), b * nb if flat_base else 0, jnp.int32)

        def cond(c):
            s, alive = c
            return jnp.logical_and(alive, s < k)

        def wbody(c):
            s, _ = c
            mv = step(s)
            return (s + 1, jnp.any(mv <= rmax))

        lax.while_loop(cond, wbody, (jnp.int32(0), True))


def _topk_pallas(q, pts, k, flat_base=True, R=128, rmax=None):
    B, m, _ = q.shape
    n = pts.shape[1]
    mp = ((m + R - 1) // R) * R
    qT = jnp.swapaxes(q, 1, 2)
    qn = jnp.sum(qT * qT, axis=1, keepdims=True)
    if mp != m:
        qT = jnp.pad(qT, ((0, 0), (0, 0), (0, mp - m)))
        qn = jnp.pad(qn, ((0, 0), (0, 0), (0, mp - m)), constant_values=1e30)
    kernel = functools.partial(_topk_body, k=k, nb=n, flat_base=flat_base, rmax=rmax)
    idx, val = pl.pallas_call(
        kernel,
        grid=(B, mp // R),
        in_specs=[
            pl.BlockSpec((1, n, 3), lambda b, j: (b, 0, 0)),
            pl.BlockSpec((1, 3, R), lambda b, j: (b, 0, j)),
            pl.BlockSpec((1, 1, R), lambda b, j: (b, 0, j)),
        ],
        out_specs=[
            pl.BlockSpec((1, k, R), lambda b, j: (b, 0, j)),
            pl.BlockSpec((1, k, R), lambda b, j: (b, 0, j)),
        ],
        out_shape=[
            jax.ShapeDtypeStruct((B, k, mp), jnp.int32),
            jax.ShapeDtypeStruct((B, k, mp), jnp.float32),
        ],
        scratch_shapes=[pltpu.VMEM((n, R), jnp.float32)],
    )(pts, qT, qn)
    return idx[:, :, :m], val[:, :, :m]



def _fps_body(posT_ref, qpos_ref, dd_ref):
    B, _, n = posT_ref.shape
    m = qpos_ref.shape[1]
    px = posT_ref[:, 0, :]
    py = posT_ref[:, 1, :]
    pz = posT_ref[:, 2, :]
    lanes = lax.broadcasted_iota(jnp.int32, (B, n), 1)

    def extract(j):
        sel = lanes == j[:, None]
        lx = jnp.sum(jnp.where(sel, px, 0.0), axis=1)
        ly = jnp.sum(jnp.where(sel, py, 0.0), axis=1)
        lz = jnp.sum(jnp.where(sel, pz, 0.0), axis=1)
        return lx, ly, lz

    def store_q(i, lx, ly, lz):
        row = jnp.concatenate(
            [lx[:, None, None], ly[:, None, None], lz[:, None, None]], axis=2)
        qpos_ref[:, pl.ds(i, 1), :] = row

    dd_ref[...] = jnp.full((B, n), jnp.inf, jnp.float32)
    j0 = jnp.zeros((B,), jnp.int32)
    lx, ly, lz = extract(j0)
    store_q(0, lx, ly, lz)

    def body(i, carry):
        lx, ly, lz = carry
        d2 = ((px - lx[:, None]) ** 2 + (py - ly[:, None]) ** 2
              + (pz - lz[:, None]) ** 2)
        dd = jnp.minimum(dd_ref[...], d2)
        dd_ref[...] = dd
        mx = jnp.max(dd, axis=1)
        j = jnp.min(jnp.where(dd == mx[:, None], lanes, n), axis=1).astype(jnp.int32)
        lx, ly, lz = extract(j)
        store_q(i, lx, ly, lz)
        return (lx, ly, lz)

    lax.fori_loop(1, m, body, (lx, ly, lz))


def _fps_pallas(pos, m):
    B, n, _ = pos.shape
    posT = jnp.swapaxes(pos, 1, 2)
    return pl.pallas_call(
        _fps_body,
        out_shape=jax.ShapeDtypeStruct((B, m, 3), jnp.float32),
        scratch_shapes=[pltpu.VMEM((B, n), jnp.float32)],
    )(posT)



def _enc_pack(p):
    def lse_parts(lp):
        W = lp["W"]
        aW = W[0:3] + W[6:9]
        nW = W[3:6] - W[6:9]
        dw = W[9]
        return aW, nW, dw

    fcW = p["fc_start"]["W"] * p["bn_start"]["g"][None, :]
    fcb = p["fc_start"]["b"] * p["bn_start"]["g"] + p["bn_start"]["be"]
    a1W, n1W, d1w = lse_parts(p["lse1"])
    a2W, n2W, d2w = lse_parts(p["lse2"])

    def pad32(a):
        a = jnp.asarray(a, jnp.float32)
        if a.ndim == 1:
            a = a[None, :]
        return jnp.pad(a, ((0, 0), (0, 32 - a.shape[1])))

    mats = [
        fcW,
        p["mlp1"]["W"],
        a1W, n1W,
        a2W, n2W,
        p["pool1_score"],
        p["pool2_score"],
        p["pool1_mlp"]["W"],
        p["pool2_mlp"]["W"],
        p["mlp2"]["W"],
        p["shortcut"]["W"],
        fcb,
        p["mlp1"]["b"],
        p["lse1"]["b"], p["lse1"]["g"], p["lse1"]["be"], d1w,
        p["lse2"]["b"], p["lse2"]["g"], p["lse2"]["be"], d2w,
        p["pool1_mlp"]["b"], p["pool1_mlp"]["g"], p["pool1_mlp"]["be"],
        p["pool2_mlp"]["b"], p["pool2_mlp"]["g"], p["pool2_mlp"]["be"],
        p["mlp2"]["b"],
        p["shortcut"]["b"], p["shortcut"]["g"], p["shortcut"]["be"],
    ]
    return jnp.concatenate([pad32(a) for a in mats], axis=0)


def _encoder_body(data_ref, nc_ref, val_ref, w_ref, out_ref):
    P = data_ref.shape[1]
    K = _K
    w = w_ref[...]
    d = data_ref[0]
    ctr = d[:, 0:3]
    loc = d[:, 3:9]
    x0 = _lrelu(jnp.dot(loc, w[0:6, 0:8], preferred_element_type=jnp.float32)
                + w[114, 0:8][None, :], 0.2)
    f1 = _lrelu(jnp.dot(x0, w[6:14, 0:8], preferred_element_type=jnp.float32)
                + w[115, 0:8][None, :], 0.2)

    dv = jnp.maximum(val_ref[0], 0.0)
    dist = jnp.where(dv > 1e-12, jnp.sqrt(jnp.where(dv > 1e-12, dv, 1.0)), 0.0)

    nc = nc_ref[0][:, 0:3]

    def stage(arow, nrow, vrow, f, wsrow, mprow, mpvrow, odim):
        a = jnp.dot(ctr, w[arow:arow + 3, 0:8],
                    preferred_element_type=jnp.float32) + w[vrow, 0:8][None, :]
        ncon = jnp.dot(nc, w[nrow:nrow + 3, 0:8],
                       preferred_element_type=jnp.float32).reshape(P, K, 8)
        pre = a[:, None, :] + ncon + dist[:, :, None] * w[vrow + 3, 0:8][None, None, :]
        enc = (jax.nn.relu(pre) * w[vrow + 1, 0:8][None, None, :]
               + w[vrow + 2, 0:8][None, None, :])
        sp = jnp.dot(enc.reshape(P * K, 8), w[wsrow:wsrow + 8, 0:16],
                     preferred_element_type=jnp.float32).reshape(P, K, 16)
        spf = jnp.dot(f, w[wsrow + 8:wsrow + 16, 0:16],
                      preferred_element_type=jnp.float32)
        s = sp + spf[:, None, :]
        s = s - jnp.max(s, axis=1, keepdims=True)
        es = jnp.exp(s)
        sm = es / jnp.sum(es, axis=1, keepdims=True)
        pe = jnp.sum(sm[:, :, 0:8] * enc, axis=1)
        pf = f * jnp.sum(sm[:, :, 8:16], axis=1)
        pooled = jnp.concatenate([pe, pf], axis=1)
        o = jax.nn.relu(jnp.dot(pooled, w[mprow:mprow + 16, 0:odim],
                                preferred_element_type=jnp.float32)
                        + w[mpvrow, 0:odim][None, :])
        return o * w[mpvrow + 1, 0:odim][None, :] + w[mpvrow + 2, 0:odim][None, :]

    feat2 = stage(14, 17, 116, f1, 26, 58, 124, 8)
    out16 = stage(20, 23, 120, feat2, 42, 74, 127, 16)

    sc = (jnp.dot(x0, w[106:114, 0:32], preferred_element_type=jnp.float32)
          + w[131, 0:32][None, :]) * w[132, 0:32][None, :] + w[133, 0:32][None, :]
    comb = _lrelu(jnp.dot(out16, w[90:106, 0:32], preferred_element_type=jnp.float32)
                  + w[130, 0:32][None, :] + sc, 0.01)
    out_ref[0] = comb


def _encoder_pallas(data, nc, valT, wenc, P=512):
    B, N, _ = data.shape
    return pl.pallas_call(
        _encoder_body,
        grid=(B, N // P),
        in_specs=[
            pl.BlockSpec((1, P, 9), lambda b, j: (b, j, 0)),
            pl.BlockSpec((1, P * _K, 16), lambda b, j: (b, j, 0)),
            pl.BlockSpec((1, P, _K), lambda b, j: (b, j, 0)),
            pl.BlockSpec(wenc.shape, lambda b, j: (0, 0)),
        ],
        out_specs=pl.BlockSpec((1, P, 32), lambda b, j: (b, j, 0)),
        out_shape=jax.ShapeDtypeStruct((B, N, 32), jnp.float32),
    )(data, nc, valT, wenc)



def _samlp_body(g_ref, qrep_ref, vm_ref, w1_ref, w2_ref, w3_ref, vec_ref, out_ref,
                *, C, G):
    rows = g_ref[0]
    xj = rows[:, 0:C]
    pj = rows[:, C:C + 3]
    q = qrep_ref[0]
    dp = pj - q
    w1 = w1_ref[...]
    c1 = w1.shape[1]
    c2 = w2_ref.shape[1]
    c3 = w3_ref.shape[1]
    v = vec_ref[...]
    h = (jnp.dot(xj, w1[0:C], preferred_element_type=jnp.float32)
         + jnp.dot(dp, w1[C:C + 3], preferred_element_type=jnp.float32)
         + v[0, 0:c1][None, :])
    h = jax.nn.relu(h) * v[1, 0:c1][None, :] + v[2, 0:c1][None, :]
    h = jnp.dot(h, w2_ref[...], preferred_element_type=jnp.float32) + v[3, 0:c2][None, :]
    h = jax.nn.relu(h) * v[4, 0:c2][None, :] + v[5, 0:c2][None, :]
    h = jnp.dot(h, w3_ref[...], preferred_element_type=jnp.float32) + v[6, 0:c3][None, :]
    h = jax.nn.relu(h) * v[7, 0:c3][None, :] + v[8, 0:c3][None, :]
    h = jnp.where(vm_ref[0] > 0.0, h, -1e30)
    out_ref[0] = jnp.max(h.reshape(G, 64, c3), axis=1)


def _samlp_pallas(gath, qrep, vmask, layers, C, m, G=64):
    B = gath.shape[0]
    mp = ((m + G - 1) // G) * G
    if mp != m:
        padr = ((0, 0), (0, (mp - m) * 64), (0, 0))
        gath = jnp.pad(gath, padr)
        qrep = jnp.pad(qrep, padr)
        vmask = jnp.pad(vmask, padr)
    c3 = layers[2]["W"].shape[1]
    maxc = max(layers[0]["W"].shape[1], layers[1]["W"].shape[1], c3)

    def padv(a):
        return jnp.pad(a, (0, maxc - a.shape[0]))[None, :]

    vec = jnp.concatenate(
        [padv(layers[i][k]) for i in range(3) for k in ("b", "g", "be")], axis=0)
    Cpad = gath.shape[2]
    kernel = functools.partial(_samlp_body, C=C, G=G)
    out = pl.pallas_call(
        kernel,
        grid=(B, mp // G),
        in_specs=[
            pl.BlockSpec((1, G * 64, Cpad), lambda b, j: (b, j, 0)),
            pl.BlockSpec((1, G * 64, 3), lambda b, j: (b, j, 0)),
            pl.BlockSpec((1, G * 64, 1), lambda b, j: (b, j, 0)),
            pl.BlockSpec(layers[0]["W"].shape, lambda b, j: (0, 0)),
            pl.BlockSpec(layers[1]["W"].shape, lambda b, j: (0, 0)),
            pl.BlockSpec(layers[2]["W"].shape, lambda b, j: (0, 0)),
            pl.BlockSpec(vec.shape, lambda b, j: (0, 0)),
        ],
        out_specs=pl.BlockSpec((1, G, c3), lambda b, j: (b, j, 0)),
        out_shape=jax.ShapeDtypeStruct((B, mp, c3), jnp.float32),
    )(gath, qrep, vmask, layers[0]["W"], layers[1]["W"], layers[2]["W"], vec)
    return out[:, :m]


def _sa_module(x, pos, ratio, r, layers):
    B, n, C = x.shape
    m = max(1, int(n * ratio))
    qpos = _fps_pallas(pos, m)
    nidx, nval = _topk_pallas(qpos, pos, 64, flat_base=True, rmax=r * r)
    idxT = jnp.swapaxes(nidx, 1, 2).reshape(B, m * 64)
    vmask = (jnp.swapaxes(nval, 1, 2) <= r * r).astype(jnp.float32).reshape(B, m * 64, 1)
    Cpad = ((C + 3 + 15) // 16) * 16
    table = jnp.concatenate(
        [x, pos, jnp.zeros((B, n, Cpad - C - 3), jnp.float32)], axis=-1)
    gath = _sc_gather(table.reshape(B * n, Cpad), idxT.reshape(-1)).reshape(B, m * 64, Cpad)
    qrep = jnp.broadcast_to(qpos[:, :, None, :], (B, m, 64, 3)).reshape(B, m * 64, 3)
    out = _samlp_pallas(gath, qrep, vmask, layers, C, m)
    return out, qpos



def _head_body(x_ref, w1, w2, w3, l1, l2, l3, l4, vec_ref, out_ref):
    v = vec_ref[...]
    h = x_ref[...]
    h = (jnp.dot(h, w1[...], preferred_element_type=jnp.float32) + v[0, 0:256][None, :])
    h = jax.nn.relu(h) * v[1, 0:256][None, :] + v[2, 0:256][None, :]
    h = (jnp.dot(h, w2[...], preferred_element_type=jnp.float32) + v[3, 0:512][None, :])
    h = jax.nn.relu(h) * v[4, 0:512][None, :] + v[5, 0:512][None, :]
    h = (jnp.dot(h, w3[...], preferred_element_type=jnp.float32) + v[6, 0:1024][None, :])
    h = jax.nn.relu(h) * v[7, 0:1024][None, :] + v[8, 0:1024][None, :]
    gs = [jnp.max(h[i * 102:(i + 1) * 102], axis=0, keepdims=True) for i in range(4)]
    g = jnp.concatenate(gs, axis=0)
    g = jax.nn.relu(jnp.dot(g, l1[...], preferred_element_type=jnp.float32)
                    + v[9, 0:512][None, :])
    g = jax.nn.relu(jnp.dot(g, l2[...], preferred_element_type=jnp.float32)
                    + v[10, 0:256][None, :])
    g = jax.nn.relu(jnp.dot(g, l3[...], preferred_element_type=jnp.float32)
                    + v[11, 0:128][None, :])
    g = jnp.dot(g, l4[...], preferred_element_type=jnp.float32) + v[12, 0:2][None, :]
    mx = jnp.max(g, axis=1, keepdims=True)
    sh = g - mx
    out_ref[...] = sh - jnp.log(jnp.sum(jnp.exp(sh), axis=1, keepdims=True))


def _head_pallas(xcat, p):
    sa3 = p["sa3"]

    def padv(a, n=1024):
        return jnp.pad(a, (0, n - a.shape[0]))[None, :]

    vec = jnp.concatenate(
        [padv(sa3[i][k]) for i in range(3) for k in ("b", "g", "be")]
        + [padv(p["lin1"]["b"]), padv(p["lin2"]["b"]), padv(p["lin3"]["b"]),
           padv(p["lin4"]["b"])], axis=0)
    full = lambda a: pl.BlockSpec(a.shape, lambda: (0,) * a.ndim)
    args = (xcat, sa3[0]["W"], sa3[1]["W"], sa3[2]["W"],
            p["lin1"]["W"], p["lin2"]["W"], p["lin3"]["W"], p["lin4"]["W"], vec)
    return pl.pallas_call(
        _head_body,
        in_specs=[full(a) for a in args],
        out_specs=pl.BlockSpec((4, 2), lambda: (0, 0)),
        out_shape=jax.ShapeDtypeStruct((4, 2), jnp.float32),
    )(*args)



def kernel(data, params):
    p = params
    B, N = _B, _N
    coords = data[..., :3]
    knn_idx, knn_val = _topk_pallas(coords, coords, _K, flat_base=True)
    idxT = jnp.swapaxes(knn_idx, 1, 2).reshape(B, N * _K)
    valT = jnp.swapaxes(knn_val, 1, 2)
    ctable = jnp.pad(coords.reshape(B * N, 3), ((0, 0), (0, 13)))
    nc = _sc_gather(ctable, idxT.reshape(-1)).reshape(B, N * _K, 16)
    wenc = _enc_pack(p)
    x = _encoder_pallas(data, nc, valT, wenc)
    x = jnp.reshape(jnp.swapaxes(x, 1, 2), (B, N, 32))
    x, pos = _sa_module(x, coords, 0.2, 0.2, p["sa1"])
    x, pos = _sa_module(x, pos, 0.5, 0.2, p["sa1a"])
    x, pos = _sa_module(x, pos, 0.25, 0.4, p["sa2"])
    xcat = jnp.concatenate([x, pos], -1).reshape(B * 102, 259)
    return _head_pallas(xcat, p)

# --- scband reference (transcript-rebuilt; emitter-appended) ---
"""Pipeline reference for scband-net-23192823398816 (READ-ONLY COPY).

The authoritative reference and input builder live on the scoring server;
editing this copy changes nothing except your own understanding.
"""

import jax, jax.numpy as jnp
import numpy as np
import math

B, N, K_KNN = 4, 4096, 16
NUM_LOCAL = 6

def _lin(key, i, o):
    k1, k2 = jax.random.split(key)
    s = 1.0 / math.sqrt(i)
    return {"W": jax.random.uniform(k1, (i, o), minval=-s, maxval=s, dtype=jnp.float32),
            "b": jax.random.uniform(k2, (o,), minval=-s, maxval=s, dtype=jnp.float32)}

def _bnp(o):
    return {"g": jnp.ones((o,), jnp.float32), "be": jnp.zeros((o,), jnp.float32)}

def _mlp_params(key, channels):
    layers = []
    for i in range(1, len(channels)):
        key, k = jax.random.split(key)
        l = _lin(k, channels[i - 1], channels[i])
        l.update(_bnp(channels[i]))
        layers.append(l)
    return layers

def setup_inputs(seed: int = 0):
    key = jax.random.key(seed)
    ks = jax.random.split(key, 20)
    data = jax.random.normal(ks[0], (B, N, 3 + NUM_LOCAL), dtype=jnp.float32)
    params = {
        "fc_start": _lin(ks[1], NUM_LOCAL, 8),
        "bn_start": _bnp(8),
        "mlp1": _lin(ks[2], 8, 8),
        "lse1": {**_lin(ks[3], 10, 8), **_bnp(8)},
        "lse2": {**_lin(ks[4], 10, 8), **_bnp(8)},
        "pool1_score": jax.random.uniform(ks[5], (16, 16), minval=-0.25, maxval=0.25, dtype=jnp.float32),
        "pool1_mlp": {**_lin(ks[6], 16, 8), **_bnp(8)},
        "pool2_score": jax.random.uniform(ks[7], (16, 16), minval=-0.25, maxval=0.25, dtype=jnp.float32),
        "pool2_mlp": {**_lin(ks[8], 16, 16), **_bnp(16)},
        "mlp2": _lin(ks[9], 16, 32),
        "shortcut": {**_lin(ks[10], 8, 32), **_bnp(32)},
        "sa1": _mlp_params(ks[11], [35, 64, 64, 96]),
        "sa1a": _mlp_params(ks[12], [99, 96, 96, 128]),
        "sa2": _mlp_params(ks[13], [131, 128, 128, 256]),
        "sa3": _mlp_params(ks[14], [259, 256, 512, 1024]),
        "lin1": _lin(ks[15], 1024, 512),
        "lin2": _lin(ks[16], 512, 256),
        "lin3": _lin(ks[17], 256, 128),
        "lin4": _lin(ks[18], 128, 2),
    }
    return {"data": data, "params": params}

def _bn(x, p):
    return x * p["g"] + p["be"]

def _lrelu(x, s):
    return jnp.where(x >= 0.0, x, s * x)

def _apply_mlp(x, layers):
    for l in layers:
        x = _bn(jax.nn.relu(x @ l["W"] + l["b"]), l)
    return x

def _pdist2(a, b):
    return jnp.sum(a * a, -1)[:, None] + jnp.sum(b * b, -1)[None, :] - 2.0 * (a @ b.T)

def _knn(coords, k):
    d2 = _pdist2(coords, coords)
    neg, idx = jax.lax.top_k(-d2, k)
    d = jnp.maximum(-neg, 0.0)
    dist = jnp.where(d > 1e-12, jnp.sqrt(jnp.where(d > 1e-12, d, 1.0)), 0.0)
    return idx, dist

def _fps(pos, m):
    n = pos.shape[0]
    idxs = jnp.zeros((m,), jnp.int32)
    dists = jnp.full((n,), jnp.inf, dtype=jnp.float32)
    def body(i, st):
        ii, dd = st
        last = pos[ii[i - 1]]
        dd = jnp.minimum(dd, jnp.sum((pos - last) ** 2, -1))
        ii = ii.at[i].set(jnp.argmax(dd).astype(jnp.int32))
        return (ii, dd)
    idxs, _ = jax.lax.fori_loop(1, m, body, (idxs, dists))
    return idxs

def _sa_module(x, pos, ratio, r, layers):
    b, n, _ = x.shape
    m = max(1, int(n * ratio))
    idx = jax.vmap(lambda p: _fps(p, m))(jax.lax.stop_gradient(pos))
    qpos = jnp.take_along_axis(pos, idx[:, :, None], axis=1)
    d2 = jax.vmap(_pdist2)(qpos, pos)
    kk = min(64, n)
    negd, nidx = jax.lax.top_k(-d2, kk)
    valid = (-negd) <= r * r
    xj = jax.vmap(lambda a, i: a[i])(x, nidx)
    pj = jax.vmap(lambda a, i: a[i])(pos, nidx)
    msg = _apply_mlp(jnp.concatenate([xj, pj - qpos[:, :, None, :]], -1), layers)
    msg = jnp.where(valid[..., None], msg, -1e30)
    out = jnp.max(msg, axis=2)
    return out, qpos

def _lse(coords, feats, idx, dist, p):
    nbr = jax.vmap(lambda c, i: c[i])(coords, idx)
    ctr = jnp.broadcast_to(coords[:, :, None, :], nbr.shape)
    cat = jnp.concatenate([ctr, nbr, ctr - nbr, dist[..., None]], -1)
    enc = _bn(jax.nn.relu(cat @ p["W"] + p["b"]), p)
    f = jnp.broadcast_to(feats[:, :, None, :], enc.shape)
    return jnp.concatenate([enc, f], -1)

def _att_pool(x, Ws, mp):
    scores = jax.nn.softmax(x @ Ws, axis=2)
    pooled = jnp.sum(scores * x, axis=2)
    return _bn(jax.nn.relu(pooled @ mp["W"] + mp["b"]), mp)

def _forward(data, params):
    p = params
    coords = data[..., :3]
    local = data[..., 3:]
    x = local @ p["fc_start"]["W"] + p["fc_start"]["b"]
    x = _lrelu(_bn(x, p["bn_start"]), 0.2)
    knn_idx, knn_dist = jax.vmap(lambda c: _knn(c, K_KNN))(coords)
    features = x
    x = _lrelu(x @ p["mlp1"]["W"] + p["mlp1"]["b"], 0.2)
    x = _lse(coords, x, knn_idx, knn_dist, p["lse1"])
    x = _att_pool(x, p["pool1_score"], p["pool1_mlp"])
    x = _lse(coords, x, knn_idx, knn_dist, p["lse2"])
    x = _att_pool(x, p["pool2_score"], p["pool2_mlp"])
    x = _lrelu((x @ p["mlp2"]["W"] + p["mlp2"]["b"]) + _bn(features @ p["shortcut"]["W"] + p["shortcut"]["b"], p["shortcut"]), 0.01)
    x = jnp.reshape(jnp.swapaxes(x, 1, 2), (x.shape[0], x.shape[1], 32))
    x, pos = _sa_module(x, coords, 0.2, 0.2, p["sa1"])
    x, pos = _sa_module(x, pos, 0.5, 0.2, p["sa1a"])
    x, pos = _sa_module(x, pos, 0.25, 0.4, p["sa2"])
    h = _apply_mlp(jnp.concatenate([x, pos], -1), p["sa3"])
    g = jnp.max(h, axis=1)
    g = jax.nn.relu(g @ p["lin1"]["W"] + p["lin1"]["b"])
    g = jax.nn.relu(g @ p["lin2"]["W"] + p["lin2"]["b"])
    g = jax.nn.relu(g @ p["lin3"]["W"] + p["lin3"]["b"])
    g = g @ p["lin4"]["W"] + p["lin4"]["b"]
    return jax.nn.log_softmax(g, axis=-1)

def reference(data, params):
    return _forward(data, params)

if __name__ == "__main__":
    import jax
    _d = setup_inputs()
    print(jax.jit(kernel)(*tuple(_d.values())))

</pallas_src>

<mosaic_0001>
#map = affine_map<(d0, d1) -> (0, 0)>
#map1 = affine_map<(d0, d1) -> (0)>
module attributes {stable_mosaic.version = 14 : i64} {
  func.func @k(%arg0: i32, %arg1: i32, %arg2: memref<16384x16xf32, #tpu.memory_space<hbm>>, %arg3: memref<262144xi32, #tpu.memory_space<hbm>>, %arg4: memref<262144x16xf32, #tpu.memory_space<hbm>>, %arg5: memref<128xi32, #tpu.memory_space<vmem>>, %arg6: memref<128x16xf32, #tpu.memory_space<vmem>>, %arg7: memref<!tpu.dma_semaphore, #tpu.memory_space<semaphore_mem>>) attributes {dimension_semantics = [#tpu.dimension_semantics<core_parallel>, #tpu.dimension_semantics<subcore_parallel>], iteration_bounds = array<i64: 2, 16>, scalar_prefetch = 0 : i64, scratch_operands = 3 : i64, tpu.core_type = #tpu.core_type<sc_vector_subcore>, window_params = [{transform_indices = #map}, {transform_indices = #map1}, {transform_indices = #map}]} {
    %mul3A = arith.constant 2 : i32
    %mul3A_0 = arith.muli %arg1, %mul3A : i32
    %add3A = arith.addi %mul3A_0, %arg0 : i32
    %mul3A_1 = arith.constant 8192 : i32
    %mul3A_2 = arith.muli %add3A, %mul3A_1 : i32
    %scan3A = arith.constant 0 : i32
    %scan3A_3 = arith.constant 0 : i32
    %scan3A_4 = arith.constant 64 : i32
    %scan3A_5 = arith.addi %scan3A_3, %scan3A_4 : i32
    %scan3A_6 = arith.constant 1 : i32
    %scan3A_7 = scf.for %scan3A_9 = %scan3A_3 to %scan3A_5 step %scan3A_6 iter_args(%scan3A_10 = %scan3A) -> (i32)  : i32 {
      %mul3A_11 = arith.constant 128 : i32
      %mul3A_12 = arith.muli %scan3A_9, %mul3A_11 : i32
      %add3A_13 = arith.addi %mul3A_2, %mul3A_12 : i32
      "tpu.region"() ({
        %run_scoped3A = tpu.sem_alloc : memref<!tpu.dma_semaphore, #tpu.memory_space<semaphore_mem>>
        %dma_start3A_29 = arith.constant 0 : i32
        %dma_start3A_30 = tpu.memref_slice %arg5[%dma_start3A_29] : memref<128xi32, #tpu.memory_space<vmem>> -> memref<128xi32, #tpu.memory_space<vmem>>
        %dma_start3A_31 = tpu.memref_slice %arg3[%add3A_13] : memref<262144xi32, #tpu.memory_space<hbm>> -> memref<128xi32, #tpu.memory_space<hbm>>
        %dma_start3A_32 = arith.constant 0 : i32
        %dma_start3A_33 = tpu.memref_slice %arg5[%dma_start3A_32] : memref<128xi32, #tpu.memory_space<vmem>> -> memref<128xi32, #tpu.memory_space<vmem>>
        %dma_start3A_34 = tpu.memref_slice %arg3[%add3A_13] : memref<262144xi32, #tpu.memory_space<hbm>> -> memref<128xi32, #tpu.memory_space<hbm>>
        tpu.enqueue_dma source(%dma_start3A_34 : memref<128xi32, #tpu.memory_space<hbm>>) target(%dma_start3A_33 : memref<128xi32, #tpu.memory_space<vmem>>) target_semaphore(%run_scoped3A : memref<!tpu.dma_semaphore, #tpu.memory_space<semaphore_mem>>)
        %dma_wait3A_35 = arith.constant 0 : i32
        %dma_wait3A_36 = tpu.memref_slice %arg5[%dma_wait3A_35] : memref<128xi32, #tpu.memory_space<vmem>> -> memref<128xi32, #tpu.memory_space<vmem>>
        %dma_wait3A_37 = tpu.memref_slice %arg3[%add3A_13] : memref<262144xi32, #tpu.memory_space<hbm>> -> memref<128xi32, #tpu.memory_space<hbm>>
        %dma_wait3A_38 = arith.constant 0 : i32
        %dma_wait3A_39 = tpu.memref_slice %arg5[%dma_wait3A_38] : memref<128xi32, #tpu.memory_space<vmem>> -> memref<128xi32, #tpu.memory_space<vmem>>
        %dma_wait3A_40 = tpu.memref_slice %arg3[%add3A_13] : memref<262144xi32, #tpu.memory_space<hbm>> -> memref<128xi32, #tpu.memory_space<hbm>>
        tpu.wait_dma2 semaphore(%run_scoped3A : memref<!tpu.dma_semaphore, #tpu.memory_space<semaphore_mem>>) src(%dma_wait3A_40 : memref<128xi32, #tpu.memory_space<hbm>>) dst(%dma_wait3A_39 : memref<128xi32, #tpu.memory_space<vmem>>)
        tpu.yield
      }) : () -> ()
      %dma_start3A = arith.constant 0 : i32
      %dma_start3A_14 = arith.constant 0 : i32
      %dma_start3A_15 = tpu.memref_slice %arg6[%dma_start3A, %dma_start3A_14] : memref<128x16xf32, #tpu.memory_space<vmem>> -> memref<128x16xf32, #tpu.memory_space<vmem>>
      %dma_start3A_16 = arith.constant 0 : i32
      %dma_start3A_17 = tpu.memref_slice %arg5[%dma_start3A_16] : memref<128xi32, #tpu.memory_space<vmem>> -> memref<128xi32, #tpu.memory_space<vmem>>
      %dma_start3A_18 = arith.constant 0 : i32
      %dma_start3A_19 = arith.constant 0 : i32
      %dma_start3A_20 = tpu.memref_slice %arg2[%dma_start3A_18, %dma_start3A_19] : memref<16384x16xf32, #tpu.memory_space<hbm>> -> memref<16384x16xf32, #tpu.memory_space<hbm>>
      tpu.enqueue_indirect_dma source(%dma_start3A_20 : memref<16384x16xf32, #tpu.memory_space<hbm>>) target(%dma_start3A_15 : memref<128x16xf32, #tpu.memory_space<vmem>>) offsets(%dma_start3A_17 : memref<128xi32, #tpu.memory_space<vmem>>) semaphore(%arg7 : memref<!tpu.dma_semaphore, #tpu.memory_space<semaphore_mem>>)
      %dma_wait3A = arith.constant 0 : i32
      %dma_wait3A_21 = arith.constant 0 : i32
      %dma_wait3A_22 = tpu.memref_slice %arg6[%dma_wait3A, %dma_wait3A_21] : memref<128x16xf32, #tpu.memory_space<vmem>> -> memref<128x16xf32, #tpu.memory_space<vmem>>
      %dma_wait3A_23 = arith.constant 0 : i32
      %dma_wait3A_24 = tpu.memref_slice %arg5[%dma_wait3A_23] : memref<128xi32, #tpu.memory_space<vmem>> -> memref<128xi32, #tpu.memory_space<vmem>>
      %dma_wait3A_25 = arith.constant 0 : i32
      %dma_wait3A_26 = arith.constant 0 : i32
      %dma_wait3A_27 = tpu.memref_slice %arg2[%dma_wait3A_25, %dma_wait3A_26] : memref<16384x16xf32, #tpu.memory_space<hbm>> -> memref<16384x16xf32, #tpu.memory_space<hbm>>
      tpu.wait_indirect_dma semaphore(%arg7 : memref<!tpu.dma_semaphore, #tpu.memory_space<semaphore_mem>>) src(%dma_wait3A_27 : memref<16384x16xf32, #tpu.memory_space<hbm>>) dst(%dma_wait3A_22 : memref<128x16xf32, #tpu.memory_space<vmem>>)
      "tpu.region"() ({
        %run_scoped3A = tpu.sem_alloc : memref<!tpu.dma_semaphore, #tpu.memory_space<semaphore_mem>>
        %dma_start3A_29 = arith.constant 0 : i32
        %dma_start3A_30 = arith.constant 0 : i32
        %dma_start3A_31 = tpu.memref_slice %arg6[%dma_start3A_29, %dma_start3A_30] : memref<128x16xf32, #tpu.memory_space<vmem>> -> memref<128x16xf32, #tpu.memory_space<vmem>>
        %dma_start3A_32 = arith.constant 0 : i32
        %dma_start3A_33 = tpu.memref_slice %arg4[%add3A_13, %dma_start3A_32] : memref<262144x16xf32, #tpu.memory_space<hbm>> -> memref<128x16xf32, #tpu.memory_space<hbm>>
        %dma_start3A_34 = arith.constant 0 : i32
        %dma_start3A_35 = tpu.memref_slice %arg4[%add3A_13, %dma_start3A_34] : memref<262144x16xf32, #tpu.memory_space<hbm>> -> memref<128x16xf32, #tpu.memory_space<hbm>>
        %dma_start3A_36 = arith.constant 0 : i32
        %dma_start3A_37 = arith.constant 0 : i32
        %dma_start3A_38 = tpu.memref_slice %arg6[%dma_start3A_36, %dma_start3A_37] : memref<128x16xf32, #tpu.memory_space<vmem>> -> memref<128x16xf32, #tpu.memory_space<vmem>>
        tpu.enqueue_dma source(%dma_start3A_38 : memref<128x16xf32, #tpu.memory_space<vmem>>) target(%dma_start3A_35 : memref<128x16xf32, #tpu.memory_space<hbm>>) target_semaphore(%run_scoped3A : memref<!tpu.dma_semaphore, #tpu.memory_space<semaphore_mem>>)
        %dma_wait3A_39 = arith.constant 0 : i32
        %dma_wait3A_40 = arith.constant 0 : i32
        %dma_wait3A_41 = tpu.memref_slice %arg6[%dma_wait3A_39, %dma_wait3A_40] : memref<128x16xf32, #tpu.memory_space<vmem>> -> memref<128x16xf32, #tpu.memory_space<vmem>>
        %dma_wait3A_42 = arith.constant 0 : i32
        %dma_wait3A_43 = tpu.memref_slice %arg4[%add3A_13, %dma_wait3A_42] : memref<262144x16xf32, #tpu.memory_space<hbm>> -> memref<128x16xf32, #tpu.memory_space<hbm>>
        %dma_wait3A_44 = arith.constant 0 : i32
        %dma_wait3A_45 = tpu.memref_slice %arg4[%add3A_13, %dma_wait3A_44] : memref<262144x16xf32, #tpu.memory_space<hbm>> -> memref<128x16xf32, #tpu.memory_space<hbm>>
        %dma_wait3A_46 = arith.constant 0 : i32
        %dma_wait3A_47 = arith.constant 0 : i32
        %dma_wait3A_48 = tpu.memref_slice %arg6[%dma_wait3A_46, %dma_wait3A_47] : memref<128x16xf32, #tpu.memory_space<vmem>> -> memref<128x16xf32, #tpu.memory_space<vmem>>
        tpu.wait_dma2 semaphore(%run_scoped3A : memref<!tpu.dma_semaphore, #tpu.memory_space<semaphore_mem>>) src(%dma_wait3A_48 : memref<128x16xf32, #tpu.memory_space<vmem>>) dst(%dma_wait3A_45 : memref<128x16xf32, #tpu.memory_space<hbm>>)
        tpu.yield
      }) : () -> ()
      %scan3A_28 = arith.constant 0 : i32
      scf.yield %scan3A_28 : i32
    }
    %scan3A_8 = arith.constant 64 : i32
    return
  }
}

module attributes {stable_mosaic.version = 14 : i64} {
  func.func @_topk_body(%arg0: i32, %arg1: i32, %arg2: memref<1x4096x3xf32, #tpu.memory_space<vmem>>, %arg3: memref<1x3x128xf32, #tpu.memory_space<vmem>>, %arg4: memref<1x1x128xf32, #tpu.memory_space<vmem>>, %arg5: memref<1x16x128xi32, #tpu.memory_space<vmem>>, %arg6: memref<1x16x128xf32, #tpu.memory_space<vmem>>, %arg7: memref<4096x128xf32, #tpu.memory_space<vmem>>) attributes {dimension_semantics = [#tpu.dimension_semantics<arbitrary>, #tpu.dimension_semantics<arbitrary>], iteration_bounds = array<i64: 4, 32>, scalar_prefetch = 0 : i64, scratch_operands = 1 : i64, tpu.core_type = #tpu.core_type<tc>, window_params = [{transform_indices = @transform_0, window_bounds = array<i64: 1, 4096, 3>}, {transform_indices = @transform_1, window_bounds = array<i64: 1, 3, 128>}, {transform_indices = @transform_2, window_bounds = array<i64: 1, 1, 128>}, {transform_indices = @transform_3, window_bounds = array<i64: 1, 16, 128>}, {transform_indices = @transform_4, window_bounds = array<i64: 1, 16, 128>}]} {
    %get3A = arith.constant 0 : index
    %get3A_0 = arith.constant 0 : index
    %get3A_1 = arith.constant 0 : index
    %get3A_2 = vector.load %arg2[%get3A, %get3A_0, %get3A_1] : memref<1x4096x3xf32, #tpu.memory_space<vmem>>, vector<1x4096x3xf32>
    %get3A_3 = vector.shape_cast %get3A_2 : vector<1x4096x3xf32> to vector<4096x3xf32>
    %mul3A = arith.mulf %get3A_3, %get3A_3 : vector<4096x3xf32>
    %reduce_sum3A = arith.constant dense<0.000000e+00> : vector<4096xf32>
    %reduce_sum3A_4 = vector.multi_reduction <add>, %mul3A, %reduce_sum3A [1] : vector<4096x3xf32> to vector<4096xf32>
    %get3A_5 = arith.constant 0 : index
    %get3A_6 = arith.constant 0 : index
    %get3A_7 = arith.constant 0 : index
    %get3A_8 = vector.load %arg3[%get3A_5, %get3A_6, %get3A_7] : memref<1x3x128xf32, #tpu.memory_space<vmem>>, vector<1x3x128xf32>
    %get3A_9 = vector.shape_cast %get3A_8 : vector<1x3x128xf32> to vector<3x128xf32>
    %dot_general3A = arith.constant dense<0.000000e+00> : vector<4096x128xf32>
    %dot_general3A_10 = tpu.matmul %get3A_3, %get3A_9, %dot_general3A {dimension_numbers = #tpu.dot_dimension_numbers<[1], [0], [0], [1], [0, 0, 1, 1], [], []>, transpose_lhs_hint = false} : vector<4096x3xf32>, vector<3x128xf32>, vector<4096x128xf32> -> vector<4096x128xf32>
    %broadcast_in_dim3A = vector.shape_cast %reduce_sum3A_4 : vector<4096xf32> to vector<4096x1xf32>
    %get3A_11 = arith.constant 0 : index
    %get3A_12 = arith.constant 0 : index
    %get3A_13 = arith.constant 0 : index
    %get3A_14 = vector.load %arg4[%get3A_11, %get3A_12, %get3A_13] : memref<1x1x128xf32, #tpu.memory_space<vmem>>, vector<1x1x128xf32>
    %get3A_15 = vector.shape_cast %get3A_14 : vector<1x1x128xf32> to vector<1x128xf32>
    %add3A = vector.broadcast %broadcast_in_dim3A : vector<4096x1xf32> to vector<4096x128xf32>
    %add3A_16 = vector.broadcast %get3A_15 : vector<1x128xf32> to vector<4096x128xf32>
    %add3A_17 = arith.addf %add3A, %add3A_16 : vector<4096x128xf32>
    %mul3A_18 = arith.constant 2.000000e+00 : f32
    %mul3A_19 = vector.broadcast %mul3A_18 : f32 to vector<4096x128xf32>
    %mul3A_20 = arith.mulf %mul3A_19, %dot_general3A_10 : vector<4096x128xf32>
    %sub3A = arith.subf %add3A_17, %mul3A_20 : vector<4096x128xf32>
    %swap3A = arith.constant 0 : index
    %swap3A_21 = arith.constant 0 : index
    %swap3A_22 = vector.load %arg7[%swap3A, %swap3A_21] : memref<4096x128xf32, #tpu.memory_space<vmem>>, vector<4096x128xf32>
    tpu.vector_store %arg7[%swap3A, %swap3A_21], %sub3A {strides = array<i32>} : memref<4096x128xf32, #tpu.memory_space<vmem>>, vector<4096x128xf32>,
    %iota3A = tpu.iota {dimensions = array<i32: 0>} : vector<4096x128xi32>
    %scan3A = arith.constant 0 : i32
    %scan3A_23 = arith.constant 16 : i32
    %scan3A_24 = arith.addi %scan3A, %scan3A_23 : i32
    %scan3A_25 = arith.constant 1 : i32
    scf.for %scan3A_27 = %scan3A to %scan3A_24 step %scan3A_25  : i32 {
      %get3A_28 = arith.constant 0 : index
      %get3A_29 = arith.constant 0 : index
      %get3A_30 = vector.load %arg7[%get3A_28, %get3A_29] : memref<4096x128xf32, #tpu.memory_space<vmem>>, vector<4096x128xf32>
      %reduce_min3A = arith.constant dense<0x7F800000> : vector<128xf32>
      %reduce_min3A_31 = vector.multi_reduction <minimumf>, %get3A_30, %reduce_min3A [0] : vector<4096x128xf32> to vector<128xf32>
      %broadcast_in_dim3A_32 = vector.shape_cast %reduce_min3A_31 : vector<128xf32> to vector<1x128xf32>
      %eq3A = vector.broadcast %broadcast_in_dim3A_32 : vector<1x128xf32> to vector<4096x128xf32>
      %eq3A_33 = arith.cmpf oeq, %get3A_30, %eq3A : vector<4096x128xf32>
      %jit3A = arith.constant 4096 : i32
      %broadcast_in_dim3A_34 = vector.broadcast %jit3A : i32 to vector<4096x128xi32>
      %select_n3A = arith.select %eq3A_33, %iota3A, %broadcast_in_dim3A_34 : vector<4096x128xi1>, vector<4096x128xi32>
      %reduce_min3A_35 = arith.constant dense<2147483647> : vector<128xi32>
      %reduce_min3A_36 = vector.multi_reduction <minsi>, %select_n3A, %reduce_min3A_35 [0] : vector<4096x128xi32> to vector<128xi32>
      %broadcast_in_dim3A_37 = vector.shape_cast %reduce_min3A_36 : vector<128xi32> to vector<1x128xi32>
      %eq3A_38 = vector.broadcast %broadcast_in_dim3A_37 : vector<1x128xi32> to vector<4096x128xi32>
      %eq3A_39 = arith.cmpi eq, %iota3A, %eq3A_38 : vector<4096x128xi32>
      %jit3A_40 = arith.constant 0x7F800000 : f32
      %broadcast_in_dim3A_41 = vector.broadcast %jit3A_40 : f32 to vector<4096x128xf32>
      %select_n3A_42 = arith.select %eq3A_39, %broadcast_in_dim3A_41, %get3A_30 : vector<4096x128xi1>, vector<4096x128xf32>
      %swap3A_43 = arith.constant 0 : index
      %swap3A_44 = arith.constant 0 : index
      %swap3A_45 = vector.load %arg7[%swap3A_43, %swap3A_44] : memref<4096x128xf32, #tpu.memory_space<vmem>>, vector<4096x128xf32>
      tpu.vector_store %arg7[%swap3A_43, %swap3A_44], %select_n3A_42 {strides = array<i32>} : memref<4096x128xf32, #tpu.memory_space<vmem>>, vector<4096x128xf32>,
      %broadcast_in_dim3A_46 = vector.shape_cast %reduce_min3A_31 : vector<128xf32> to vector<1x128xf32>
      %swap3A_47 = arith.constant 0 : index
      %swap3A_48 = arith.index_cast %scan3A_27 : i32 to index
      %swap3A_49 = arith.constant 0 : index
      %swap3A_50 = vector.load %arg6[%swap3A_47, %swap3A_48, %swap3A_49] : memref<1x16x128xf32, #tpu.memory_space<vmem>>, vector<1x1x128xf32>
      %swap3A_51 = vector.shape_cast %swap3A_50 : vector<1x1x128xf32> to vector<1x128xf32>
      %swap3A_52 = vector.shape_cast %broadcast_in_dim3A_46 : vector<1x128xf32> to vector<1x1x128xf32>
      tpu.vector_store %arg6[%swap3A_47, %swap3A_48, %swap3A_49], %swap3A_52 {strides = array<i32>} : memref<1x16x128xf32, #tpu.memory_space<vmem>>, vector<1x1x128xf32>,
      %mul3A_53 = arith.constant 4096 : i32
      %mul3A_54 = arith.muli %arg0, %mul3A_53 : i32
      %add3A_55 = vector.broadcast %mul3A_54 : i32 to vector<128xi32>
      %add3A_56 = arith.addi %reduce_min3A_36, %add3A_55 : vector<128xi32>
      %broadcast_in_dim3A_57 = vector.shape_cast %add3A_56 : vector<128xi32> to vector<1x128xi32>
      %swap3A_58 = arith.constant 0 : index
      %swap3A_59 = arith.index_cast %scan3A_27 : i32 to index
      %swap3A_60 = arith.constant 0 : index
      %swap3A_61 = vector.load %arg5[%swap3A_58, %swap3A_59, %swap3A_60] : memref<1x16x128xi32, #tpu.memory_space<vmem>>, vector<1x1x128xi32>
      %swap3A_62 = vector.shape_cast %swap3A_61 : vector<1x1x128xi32> to vector<1x128xi32>
      %swap3A_63 = vector.shape_cast %broadcast_in_dim3A_57 : vector<1x128xi32> to vector<1x1x128xi32>
      tpu.vector_store %arg5[%swap3A_58, %swap3A_59, %swap3A_60], %swap3A_63 {strides = array<i32>} : memref<1x16x128xi32, #tpu.memory_space<vmem>>, vector<1x1x128xi32>,
    }
    %scan3A_26 = arith.constant 16 : i32
    return
  }
  func.func @transform_0(%arg0: i32, %arg1: i32) -> (i32, i32, i32) {
    %c0_i32 = arith.constant 0 : i32
    %c0_i32_0 = arith.constant 0 : i32
    %c0_i32_1 = arith.constant 0 : i32
    return %arg0, %c0_i32, %c0_i32_0 : i32, i32, i32
  }
  func.func @transform_1(%arg0: i32, %arg1: i32) -> (i32, i32, i32) {
    %c0_i32 = arith.constant 0 : i32
    %c0_i32_0 = arith.constant 0 : i32
    return %arg0, %c0_i32, %arg1 : i32, i32, i32
  }
  func.func @transform_2(%arg0: i32, %arg1: i32) -> (i32, i32, i32) {
    %c0_i32 = arith.constant 0 : i32
    %c0_i32_0 = arith.constant 0 : i32
    return %arg0, %c0_i32, %arg1 : i32, i32, i32
  }
  func.func @transform_3(%arg0: i32, %arg1: i32) -> (i32, i32, i32) {
    %c0_i32 = arith.constant 0 : i32
    %c0_i32_0 = arith.constant 0 : i32
    return %arg0, %c0_i32, %arg1 : i32, i32, i32
  }
  func.func @transform_4(%arg0: i32, %arg1: i32) -> (i32, i32, i32) {
    %c0_i32 = arith.constant 0 : i32
    %c0_i32_0 = arith.constant 0 : i32
    return %arg0, %c0_i32, %arg1 : i32, i32, i32
  }
}

module attributes {stable_mosaic.version = 14 : i64} {
  func.func @_encoder_body(%arg0: i32, %arg1: i32, %arg2: memref<1x512x9xf32, #tpu.memory_space<vmem>>, %arg3: memref<1x8192x16xf32, #tpu.memory_space<vmem>>, %arg4: memref<1x512x16xf32, #tpu.memory_space<vmem>>, %arg5: memref<134x32xf32, #tpu.memory_space<vmem>>, %arg6: memref<1x512x32xf32, #tpu.memory_space<vmem>>) attributes {dimension_semantics = [#tpu.dimension_semantics<arbitrary>, #tpu.dimension_semantics<arbitrary>], iteration_bounds = array<i64: 4, 8>, scalar_prefetch = 0 : i64, scratch_operands = 0 : i64, tpu.core_type = #tpu.core_type<tc>, window_params = [{transform_indices = @transform_0, window_bounds = array<i64: 1, 512, 9>}, {transform_indices = @transform_1, window_bounds = array<i64: 1, 8192, 16>}, {transform_indices = @transform_2, window_bounds = array<i64: 1, 512, 16>}, {pipeline_mode = #tpu.pipeline_mode<synchronous>, transform_indices = @transform_3, window_bounds = array<i64: 134, 32>}, {transform_indices = @transform_4, window_bounds = array<i64: 1, 512, 32>}]} {
    %get3A = arith.constant 0 : index
    %get3A_0 = arith.constant 0 : index
    %get3A_1 = vector.load %arg5[%get3A, %get3A_0] : memref<134x32xf32, #tpu.memory_space<vmem>>, vector<134x32xf32>
    %get3A_2 = arith.constant 0 : index
    %get3A_3 = arith.constant 0 : index
    %get3A_4 = arith.constant 0 : index
    %get3A_5 = vector.load %arg2[%get3A_2, %get3A_3, %get3A_4] : memref<1x512x9xf32, #tpu.memory_space<vmem>>, vector<1x512x9xf32>
    %get3A_6 = vector.shape_cast %get3A_5 : vector<1x512x9xf32> to vector<512x9xf32>
    %slice3A = vector.extract_strided_slice %get3A_6 {offsets = [0, 0], sizes = [512, 3], strides = [1, 1]} : vector<512x9xf32> to vector<512x3xf32>
    %slice3A_7 = vector.extract_strided_slice %get3A_6 {offsets = [0, 3], sizes = [512, 6], strides = [1, 1]} : vector<512x9xf32> to vector<512x6xf32>
    %slice3A_8 = vector.extract_strided_slice %get3A_1 {offsets = [0, 0], sizes = [6, 8], strides = [1, 1]} : vector<134x32xf32> to vector<6x8xf32>
    %dot_general3A = arith.constant dense<0.000000e+00> : vector<512x8xf32>
    %dot_general3A_9 = tpu.matmul %slice3A_7, %slice3A_8, %dot_general3A {dimension_numbers = #tpu.dot_dimension_numbers<[1], [0], [0], [1], [0, 0, 1, 1], [], []>, transpose_lhs_hint = false} : vector<512x6xf32>, vector<6x8xf32>, vector<512x8xf32> -> vector<512x8xf32>
    %slice3A_10 = vector.extract_strided_slice %get3A_1 {offsets = [114, 0], sizes = [1, 8], strides = [1, 1]} : vector<134x32xf32> to vector<1x8xf32>
    %squeeze3A = vector.shape_cast %slice3A_10 : vector<1x8xf32> to vector<8xf32>
    %broadcast_in_dim3A = vector.shape_cast %squeeze3A : vector<8xf32> to vector<1x8xf32>
    %add3A = vector.broadcast %broadcast_in_dim3A : vector<1x8xf32> to vector<512x8xf32>
    %add3A_11 = arith.addf %dot_general3A_9, %add3A : vector<512x8xf32>
    %ge3A = arith.constant 0.000000e+00 : f32
    %ge3A_12 = vector.broadcast %ge3A : f32 to vector<512x8xf32>
    %ge3A_13 = arith.cmpf oge, %add3A_11, %ge3A_12 : vector<512x8xf32>
    %mul3A = arith.constant 2.000000e-01 : f32
    %mul3A_14 = vector.broadcast %mul3A : f32 to vector<512x8xf32>
    %mul3A_15 = arith.mulf %mul3A_14, %add3A_11 : vector<512x8xf32>
    %select_n3A = arith.select %ge3A_13, %add3A_11, %mul3A_15 : vector<512x8xi1>, vector<512x8xf32>
    %slice3A_16 = vector.extract_strided_slice %get3A_1 {offsets = [6, 0], sizes = [8, 8], strides = [1, 1]} : vector<134x32xf32> to vector<8x8xf32>
    %dot_general3A_17 = arith.constant dense<0.000000e+00> : vector<512x8xf32>
    %dot_general3A_18 = tpu.matmul %select_n3A, %slice3A_16, %dot_general3A_17 {dimension_numbers = #tpu.dot_dimension_numbers<[1], [0], [0], [1], [0, 0, 1, 1], [], []>, transpose_lhs_hint = false} : vector<512x8xf32>, vector<8x8xf32>, vector<512x8xf32> -> vector<512x8xf32>
    %slice3A_19 = vector.extract_strided_slice %get3A_1 {offsets = [115, 0], sizes = [1, 8], strides = [1, 1]} : vector<134x32xf32> to vector<1x8xf32>
    %squeeze3A_20 = vector.shape_cast %slice3A_19 : vector<1x8xf32> to vector<8xf32>
    %broadcast_in_dim3A_21 = vector.shape_cast %squeeze3A_20 : vector<8xf32> to vector<1x8xf32>
    %add3A_22 = vector.broadcast %broadcast_in_dim3A_21 : vector<1x8xf32> to vector<512x8xf32>
    %add3A_23 = arith.addf %dot_general3A_18, %add3A_22 : vector<512x8xf32>
    %ge3A_24 = arith.constant 0.000000e+00 : f32
    %ge3A_25 = vector.broadcast %ge3A_24 : f32 to vector<512x8xf32>
    %ge3A_26 = arith.cmpf oge, %add3A_23, %ge3A_25 : vector<512x8xf32>
    %mul3A_27 = arith.constant 2.000000e-01 : f32
    %mul3A_28 = vector.broadcast %mul3A_27 : f32 to vector<512x8xf32>
    %mul3A_29 = arith.mulf %mul3A_28, %add3A_23 : vector<512x8xf32>
    %select_n3A_30 = arith.select %ge3A_26, %add3A_23, %mul3A_29 : vector<512x8xi1>, vector<512x8xf32>
    %get3A_31 = arith.constant 0 : index
    %get3A_32 = arith.constant 0 : index
    %get3A_33 = arith.constant 0 : index
    %get3A_34 = vector.load %arg4[%get3A_31, %get3A_32, %get3A_33] : memref<1x512x16xf32, #tpu.memory_space<vmem>>, vector<1x512x16xf32>
    %get3A_35 = vector.shape_cast %get3A_34 : vector<1x512x16xf32> to vector<512x16xf32>
    %max3A = arith.constant 0.000000e+00 : f32
    %max3A_36 = vector.broadcast %max3A : f32 to vector<512x16xf32>
    %max3A_37 = arith.maximumf %get3A_35, %max3A_36 : vector<512x16xf32>
    %gt3A = arith.constant 9.99999996E-13 : f32
    %gt3A_38 = vector.broadcast %gt3A : f32 to vector<512x16xf32>
    %gt3A_39 = arith.cmpf ogt, %max3A_37, %gt3A_38 : vector<512x16xf32>
    %gt3A_40 = arith.constant 9.99999996E-13 : f32
    %gt3A_41 = vector.broadcast %gt3A_40 : f32 to vector<512x16xf32>
    %gt3A_42 = arith.cmpf ogt, %max3A_37, %gt3A_41 : vector<512x16xf32>
    %jit3A = arith.constant 1.000000e+00 : f32
    %broadcast_in_dim3A_43 = vector.broadcast %jit3A : f32 to vector<512x16xf32>
    %select_n3A_44 = arith.select %gt3A_42, %max3A_37, %broadcast_in_dim3A_43 : vector<512x16xi1>, vector<512x16xf32>
    %sqrt3A = math.sqrt %select_n3A_44 : vector<512x16xf32>
    %jit3A_45 = arith.constant 0.000000e+00 : f32
    %broadcast_in_dim3A_46 = vector.broadcast %jit3A_45 : f32 to vector<512x16xf32>
    %select_n3A_47 = arith.select %gt3A_39, %sqrt3A, %broadcast_in_dim3A_46 : vector<512x16xi1>, vector<512x16xf32>
    %get3A_48 = arith.constant 0 : index
    %get3A_49 = arith.constant 0 : index
    %get3A_50 = arith.constant 0 : index
    %get3A_51 = vector.load %arg3[%get3A_48, %get3A_49, %get3A_50] : memref<1x8192x16xf32, #tpu.memory_space<vmem>>, vector<1x8192x16xf32>
    %get3A_52 = vector.shape_cast %get3A_51 : vector<1x8192x16xf32> to vector<8192x16xf32>
    %slice3A_53 = vector.extract_strided_slice %get3A_52 {offsets = [0, 0], sizes = [8192, 3], strides = [1, 1]} : vector<8192x16xf32> to vector<8192x3xf32>
    %slice3A_54 = vector.extract_strided_slice %get3A_1 {offsets = [14, 0], sizes = [3, 8], strides = [1, 1]} : vector<134x32xf32> to vector<3x8xf32>
    %dot_general3A_55 = arith.constant dense<0.000000e+00> : vector<512x8xf32>
    %dot_general3A_56 = tpu.matmul %slice3A, %slice3A_54, %dot_general3A_55 {dimension_numbers = #tpu.dot_dimension_numbers<[1], [0], [0], [1], [0, 0, 1, 1], [], []>, transpose_lhs_hint = false} : vector<512x3xf32>, vector<3x8xf32>, vector<512x8xf32> -> vector<512x8xf32>
    %slice3A_57 = vector.extract_strided_slice %get3A_1 {offsets = [116, 0], sizes = [1, 8], strides = [1, 1]} : vector<134x32xf32> to vector<1x8xf32>
    %squeeze3A_58 = vector.shape_cast %slice3A_57 : vector<1x8xf32> to vector<8xf32>
    %broadcast_in_dim3A_59 = vector.shape_cast %squeeze3A_58 : vector<8xf32> to vector<1x8xf32>
    %add3A_60 = vector.broadcast %broadcast_in_dim3A_59 : vector<1x8xf32> to vector<512x8xf32>
    %add3A_61 = arith.addf %dot_general3A_56, %add3A_60 : vector<512x8xf32>
    %slice3A_62 = vector.extract_strided_slice %get3A_1 {offsets = [17, 0], sizes = [3, 8], strides = [1, 1]} : vector<134x32xf32> to vector<3x8xf32>
    %dot_general3A_63 = arith.constant dense<0.000000e+00> : vector<8192x8xf32>
    %dot_general3A_64 = tpu.matmul %slice3A_53, %slice3A_62, %dot_general3A_63 {dimension_numbers = #tpu.dot_dimension_numbers<[1], [0], [0], [1], [0, 0, 1, 1], [], []>, transpose_lhs_hint = false} : vector<8192x3xf32>, vector<3x8xf32>, vector<8192x8xf32> -> vector<8192x8xf32>
    %reshape3A = vector.shape_cast %dot_general3A_64 : vector<8192x8xf32> to vector<512x16x8xf32>
    %broadcast_in_dim3A_65 = vector.shape_cast %add3A_61 : vector<512x8xf32> to vector<512x1x8xf32>
    %add3A_66 = vector.broadcast %broadcast_in_dim3A_65 : vector<512x1x8xf32> to vector<512x16x8xf32>
    %add3A_67 = arith.addf %add3A_66, %reshape3A : vector<512x16x8xf32>
    %broadcast_in_dim3A_68 = vector.shape_cast %select_n3A_47 : vector<512x16xf32> to vector<512x16x1xf32>
    %slice3A_69 = vector.extract_strided_slice %get3A_1 {offsets = [119, 0], sizes = [1, 8], strides = [1, 1]} : vector<134x32xf32> to vector<1x8xf32>
    %squeeze3A_70 = vector.shape_cast %slice3A_69 : vector<1x8xf32> to vector<8xf32>
    %broadcast_in_dim3A_71 = vector.shape_cast %squeeze3A_70 : vector<8xf32> to vector<1x1x8xf32>
    %mul3A_72 = vector.broadcast %broadcast_in_dim3A_68 : vector<512x16x1xf32> to vector<512x16x8xf32>
    %mul3A_73 = vector.broadcast %broadcast_in_dim3A_71 : vector<1x1x8xf32> to vector<512x16x8xf32>
    %mul3A_74 = arith.mulf %mul3A_72, %mul3A_73 : vector<512x16x8xf32>
    %add3A_75 = arith.addf %add3A_67, %mul3A_74 : vector<512x16x8xf32>
    %max3A_76 = arith.constant 0.000000e+00 : f32
    %max3A_77 = vector.broadcast %max3A_76 : f32 to vector<512x16x8xf32>
    %max3A_78 = arith.maximumf %add3A_75, %max3A_77 : vector<512x16x8xf32>
    %slice3A_79 = vector.extract_strided_slice %get3A_1 {offsets = [117, 0], sizes = [1, 8], strides = [1, 1]} : vector<134x32xf32> to vector<1x8xf32>
    %squeeze3A_80 = vector.shape_cast %slice3A_79 : vector<1x8xf32> to vector<8xf32>
    %broadcast_in_dim3A_81 = vector.shape_cast %squeeze3A_80 : vector<8xf32> to vector<1x1x8xf32>
    %mul3A_82 = vector.broadcast %broadcast_in_dim3A_81 : vector<1x1x8xf32> to vector<512x16x8xf32>
    %mul3A_83 = arith.mulf %max3A_78, %mul3A_82 : vector<512x16x8xf32>
    %slice3A_84 = vector.extract_strided_slice %get3A_1 {offsets = [118, 0], sizes = [1, 8], strides = [1, 1]} : vector<134x32xf32> to vector<1x8xf32>
    %squeeze3A_85 = vector.shape_cast %slice3A_84 : vector<1x8xf32> to vector<8xf32>
    %broadcast_in_dim3A_86 = vector.shape_cast %squeeze3A_85 : vector<8xf32> to vector<1x1x8xf32>
    %add3A_87 = vector.broadcast %broadcast_in_dim3A_86 : vector<1x1x8xf32> to vector<512x16x8xf32>
    %add3A_88 = arith.addf %mul3A_83, %add3A_87 : vector<512x16x8xf32>
    %reshape3A_89 = vector.shape_cast %add3A_88 : vector<512x16x8xf32> to vector<8192x8xf32>
    %slice3A_90 = vector.extract_strided_slice %get3A_1 {offsets = [26, 0], sizes = [8, 16], strides = [1, 1]} : vector<134x32xf32> to vector<8x16xf32>
    %dot_general3A_91 = arith.constant dense<0.000000e+00> : vector<8192x16xf32>
    %dot_general3A_92 = tpu.matmul %reshape3A_89, %slice3A_90, %dot_general3A_91 {dimension_numbers = #tpu.dot_dimension_numbers<[1], [0], [0], [1], [0, 0, 1, 1], [], []>, transpose_lhs_hint = false} : vector<8192x8xf32>, vector<8x16xf32>, vector<8192x16xf32> -> vector<8192x16xf32>
    %reshape3A_93 = vector.shape_cast %dot_general3A_92 : vector<8192x16xf32> to vector<512x16x16xf32>
    %slice3A_94 = vector.extract_strided_slice %get3A_1 {offsets = [34, 0], sizes = [8, 16], strides = [1, 1]} : vector<134x32xf32> to vector<8x16xf32>
    %dot_general3A_95 = arith.constant dense<0.000000e+00> : vector<512x16xf32>
    %dot_general3A_96 = tpu.matmul %select_n3A_30, %slice3A_94, %dot_general3A_95 {dimension_numbers = #tpu.dot_dimension_numbers<[1], [0], [0], [1], [0, 0, 1, 1], [], []>, transpose_lhs_hint = false} : vector<512x8xf32>, vector<8x16xf32>, vector<512x16xf32> -> vector<512x16xf32>
    %broadcast_in_dim3A_97 = vector.shape_cast %dot_general3A_96 : vector<512x16xf32> to vector<512x1x16xf32>
    %add3A_98 = vector.broadcast %broadcast_in_dim3A_97 : vector<512x1x16xf32> to vector<512x16x16xf32>
    %add3A_99 = arith.addf %reshape3A_93, %add3A_98 : vector<512x16x16xf32>
    %reduce_max3A = arith.constant dense<0xFF800000> : vector<512x16xf32>
    %reduce_max3A_100 = vector.multi_reduction <maximumf>, %add3A_99, %reduce_max3A [1] : vector<512x16x16xf32> to vector<512x16xf32>
    %broadcast_in_dim3A_101 = vector.shape_cast %reduce_max3A_100 : vector<512x16xf32> to vector<512x1x16xf32>
    %sub3A = vector.broadcast %broadcast_in_dim3A_101 : vector<512x1x16xf32> to vector<512x16x16xf32>
    %sub3A_102 = arith.subf %add3A_99, %sub3A : vector<512x16x16xf32>
    %exp3A = math.exp %sub3A_102 : vector<512x16x16xf32>
    %reduce_sum3A = arith.constant dense<0.000000e+00> : vector<512x16xf32>
    %reduce_sum3A_103 = vector.multi_reduction <add>, %exp3A, %reduce_sum3A [1] : vector<512x16x16xf32> to vector<512x16xf32>
    %broadcast_in_dim3A_104 = vector.shape_cast %reduce_sum3A_103 : vector<512x16xf32> to vector<512x1x16xf32>
    %div3A = vector.broadcast %broadcast_in_dim3A_104 : vector<512x1x16xf32> to vector<512x16x16xf32>
    %div3A_105 = arith.divf %exp3A, %div3A : vector<512x16x16xf32>
    %slice3A_106 = vector.extract_strided_slice %div3A_105 {offsets = [0, 0, 0], sizes = [512, 16, 8], strides = [1, 1, 1]} : vector<512x16x16xf32> to vector<512x16x8xf32>
    %mul3A_107 = arith.mulf %slice3A_106, %add3A_88 : vector<512x16x8xf32>
    %reduce_sum3A_108 = arith.constant dense<0.000000e+00> : vector<512x8xf32>
    %reduce_sum3A_109 = vector.multi_reduction <add>, %mul3A_107, %reduce_sum3A_108 [1] : vector<512x16x8xf32> to vector<512x8xf32>
    %slice3A_110 = vector.extract_strided_slice %div3A_105 {offsets = [0, 0, 8], sizes = [512, 16, 8], strides = [1, 1, 1]} : vector<512x16x16xf32> to vector<512x16x8xf32>
    %reduce_sum3A_111 = arith.constant dense<0.000000e+00> : vector<512x8xf32>
    %reduce_sum3A_112 = vector.multi_reduction <add>, %slice3A_110, %reduce_sum3A_111 [1] : vector<512x16x8xf32> to vector<512x8xf32>
    %mul3A_113 = arith.mulf %select_n3A_30, %reduce_sum3A_112 : vector<512x8xf32>
    %concatenate3A = tpu.concatenate %reduce_sum3A_109, %mul3A_113 in 1 : vector<512x8xf32>, vector<512x8xf32> -> vector<512x16xf32>
    %slice3A_114 = vector.extract_strided_slice %get3A_1 {offsets = [58, 0], sizes = [16, 8], strides = [1, 1]} : vector<134x32xf32> to vector<16x8xf32>
    %dot_general3A_115 = arith.constant dense<0.000000e+00> : vector<512x8xf32>
    %dot_general3A_116 = tpu.matmul %concatenate3A, %slice3A_114, %dot_general3A_115 {dimension_numbers = #tpu.dot_dimension_numbers<[1], [0], [0], [1], [0, 0, 1, 1], [], []>, transpose_lhs_hint = false} : vector<512x16xf32>, vector<16x8xf32>, vector<512x8xf32> -> vector<512x8xf32>
    %slice3A_117 = vector.extract_strided_slice %get3A_1 {offsets = [124, 0], sizes = [1, 8], strides = [1, 1]} : vector<134x32xf32> to vector<1x8xf32>
    %squeeze3A_118 = vector.shape_cast %slice3A_117 : vector<1x8xf32> to vector<8xf32>
    %broadcast_in_dim3A_119 = vector.shape_cast %squeeze3A_118 : vector<8xf32> to vector<1x8xf32>
    %add3A_120 = vector.broadcast %broadcast_in_dim3A_119 : vector<1x8xf32> to vector<512x8xf32>
    %add3A_121 = arith.addf %dot_general3A_116, %add3A_120 : vector<512x8xf32>
    %max3A_122 = arith.constant 0.000000e+00 : f32
    %max3A_123 = vector.broadcast %max3A_122 : f32 to vector<512x8xf32>
    %max3A_124 = arith.maximumf %add3A_121, %max3A_123 : vector<512x8xf32>
    %slice3A_125 = vector.extract_strided_slice %get3A_1 {offsets = [125, 0], sizes = [1, 8], strides = [1, 1]} : vector<134x32xf32> to vector<1x8xf32>
    %squeeze3A_126 = vector.shape_cast %slice3A_125 : vector<1x8xf32> to vector<8xf32>
    %broadcast_in_dim3A_127 = vector.shape_cast %squeeze3A_126 : vector<8xf32> to vector<1x8xf32>
    %mul3A_128 = vector.broadcast %broadcast_in_dim3A_127 : vector<1x8xf32> to vector<512x8xf32>
    %mul3A_129 = arith.mulf %max3A_124, %mul3A_128 : vector<512x8xf32>
    %slice3A_130 = vector.extract_strided_slice %get3A_1 {offsets = [126, 0], sizes = [1, 8], strides = [1, 1]} : vector<134x32xf32> to vector<1x8xf32>
    %squeeze3A_131 = vector.shape_cast %slice3A_130 : vector<1x8xf32> to vector<8xf32>
    %broadcast_in_dim3A_132 = vector.shape_cast %squeeze3A_131 : vector<8xf32> to vector<1x8xf32>
    %add3A_133 = vector.broadcast %broadcast_in_dim3A_132 : vector<1x8xf32> to vector<512x8xf32>
    %add3A_134 = arith.addf %mul3A_129, %add3A_133 : vector<512x8xf32>
    %slice3A_135 = vector.extract_strided_slice %get3A_1 {offsets = [20, 0], sizes = [3, 8], strides = [1, 1]} : vector<134x32xf32> to vector<3x8xf32>
    %dot_general3A_136 = arith.constant dense<0.000000e+00> : vector<512x8xf32>
    %dot_general3A_137 = tpu.matmul %slice3A, %slice3A_135, %dot_general3A_136 {dimension_numbers = #tpu.dot_dimension_numbers<[1], [0], [0], [1], [0, 0, 1, 1], [], []>, transpose_lhs_hint = false} : vector<512x3xf32>, vector<3x8xf32>, vector<512x8xf32> -> vector<512x8xf32>
    %slice3A_138 = vector.extract_strided_slice %get3A_1 {offsets = [120, 0], sizes = [1, 8], strides = [1, 1]} : vector<134x32xf32> to vector<1x8xf32>
    %squeeze3A_139 = vector.shape_cast %slice3A_138 : vector<1x8xf32> to vector<8xf32>
    %broadcast_in_dim3A_140 = vector.shape_cast %squeeze3A_139 : vector<8xf32> to vector<1x8xf32>
    %add3A_141 = vector.broadcast %broadcast_in_dim3A_140 : vector<1x8xf32> to vector<512x8xf32>
    %add3A_142 = arith.addf %dot_general3A_137, %add3A_141 : vector<512x8xf32>
    %slice3A_143 = vector.extract_strided_slice %get3A_1 {offsets = [23, 0], sizes = [3, 8], strides = [1, 1]} : vector<134x32xf32> to vector<3x8xf32>
    %dot_general3A_144 = arith.constant dense<0.000000e+00> : vector<8192x8xf32>
    %dot_general3A_145 = tpu.matmul %slice3A_53, %slice3A_143, %dot_general3A_144 {dimension_numbers = #tpu.dot_dimension_numbers<[1], [0], [0], [1], [0, 0, 1, 1], [], []>, transpose_lhs_hint = false} : vector<8192x3xf32>, vector<3x8xf32>, vector<8192x8xf32> -> vector<8192x8xf32>
    %reshape3A_146 = vector.shape_cast %dot_general3A_145 : vector<8192x8xf32> to vector<512x16x8xf32>
    %broadcast_in_dim3A_147 = vector.shape_cast %add3A_142 : vector<512x8xf32> to vector<512x1x8xf32>
    %add3A_148 = vector.broadcast %broadcast_in_dim3A_147 : vector<512x1x8xf32> to vector<512x16x8xf32>
    %add3A_149 = arith.addf %add3A_148, %reshape3A_146 : vector<512x16x8xf32>
    %broadcast_in_dim3A_150 = vector.shape_cast %select_n3A_47 : vector<512x16xf32> to vector<512x16x1xf32>
    %slice3A_151 = vector.extract_strided_slice %get3A_1 {offsets = [123, 0], sizes = [1, 8], strides = [1, 1]} : vector<134x32xf32> to vector<1x8xf32>
    %squeeze3A_152 = vector.shape_cast %slice3A_151 : vector<1x8xf32> to vector<8xf32>
    %broadcast_in_dim3A_153 = vector.shape_cast %squeeze3A_152 : vector<8xf32> to vector<1x1x8xf32>
    %mul3A_154 = vector.broadcast %broadcast_in_dim3A_150 : vector<512x16x1xf32> to vector<512x16x8xf32>
    %mul3A_155 = vector.broadcast %broadcast_in_dim3A_153 : vector<1x1x8xf32> to vector<512x16x8xf32>
    %mul3A_156 = arith.mulf %mul3A_154, %mul3A_155 : vector<512x16x8xf32>
    %add3A_157 = arith.addf %add3A_149, %mul3A_156 : vector<512x16x8xf32>
    %max3A_158 = arith.constant 0.000000e+00 : f32
    %max3A_159 = vector.broadcast %max3A_158 : f32 to vector<512x16x8xf32>
    %max3A_160 = arith.maximumf %add3A_157, %max3A_159 : vector<512x16x8xf32>
    %slice3A_161 = vector.extract_strided_slice %get3A_1 {offsets = [121, 0], sizes = [1, 8], strides = [1, 1]} : vector<134x32xf32> to vector<1x8xf32>
    %squeeze3A_162 = vector.shape_cast %slice3A_161 : vector<1x8xf32> to vector<8xf32>
    %broadcast_in_dim3A_163 = vector.shape_cast %squeeze3A_162 : vector<8xf32> to vector<1x1x8xf32>
    %mul3A_164 = vector.broadcast %broadcast_in_dim3A_163 : vector<1x1x8xf32> to vector<512x16x8xf32>
    %mul3A_165 = arith.mulf %max3A_160, %mul3A_164 : vector<512x16x8xf32>
    %slice3A_166 = vector.extract_strided_slice %get3A_1 {offsets = [122, 0], sizes = [1, 8], strides = [1, 1]} : vector<134x32xf32> to vector<1x8xf32>
    %squeeze3A_167 = vector.shape_cast %slice3A_166 : vector<1x8xf32> to vector<8xf32>
    %broadcast_in_dim3A_168 = vector.shape_cast %squeeze3A_167 : vector<8xf32> to vector<1x1x8xf32>
    %add3A_169 = vector.broadcast %broadcast_in_dim3A_168 : vector<1x1x8xf32> to vector<512x16x8xf32>
    %add3A_170 = arith.addf %mul3A_165, %add3A_169 : vector<512x16x8xf32>
    %reshape3A_171 = vector.shape_cast %add3A_170 : vector<512x16x8xf32> to vector<8192x8xf32>
    %slice3A_172 = vector.extract_strided_slice %get3A_1 {offsets = [42, 0], sizes = [8, 16], strides = [1, 1]} : vector<134x32xf32> to vector<8x16xf32>
    %dot_general3A_173 = arith.constant dense<0.000000e+00> : vector<8192x16xf32>
    %dot_general3A_174 = tpu.matmul %reshape3A_171, %slice3A_172, %dot_general3A_173 {dimension_numbers = #tpu.dot_dimension_numbers<[1], [0], [0], [1], [0, 0, 1, 1], [], []>, transpose_lhs_hint = false} : vector<8192x8xf32>, vector<8x16xf32>, vector<8192x16xf32> -> vector<8192x16xf32>
    %reshape3A_175 = vector.shape_cast %dot_general3A_174 : vector<8192x16xf32> to vector<512x16x16xf32>
    %slice3A_176 = vector.extract_strided_slice %get3A_1 {offsets = [50, 0], sizes = [8, 16], strides = [1, 1]} : vector<134x32xf32> to vector<8x16xf32>
    %dot_general3A_177 = arith.constant dense<0.000000e+00> : vector<512x16xf32>
    %dot_general3A_178 = tpu.matmul %add3A_134, %slice3A_176, %dot_general3A_177 {dimension_numbers = #tpu.dot_dimension_numbers<[1], [0], [0], [1], [0, 0, 1, 1], [], []>, transpose_lhs_hint = false} : vector<512x8xf32>, vector<8x16xf32>, vector<512x16xf32> -> vector<512x16xf32>
    %broadcast_in_dim3A_179 = vector.shape_cast %dot_general3A_178 : vector<512x16xf32> to vector<512x1x16xf32>
    %add3A_180 = vector.broadcast %broadcast_in_dim3A_179 : vector<512x1x16xf32> to vector<512x16x16xf32>
    %add3A_181 = arith.addf %reshape3A_175, %add3A_180 : vector<512x16x16xf32>
    %reduce_max3A_182 = arith.constant dense<0xFF800000> : vector<512x16xf32>
    %reduce_max3A_183 = vector.multi_reduction <maximumf>, %add3A_181, %reduce_max3A_182 [1] : vector<512x16x16xf32> to vector<512x16xf32>
    %broadcast_in_dim3A_184 = vector.shape_cast %reduce_max3A_183 : vector<512x16xf32> to vector<512x1x16xf32>
    %sub3A_185 = vector.broadcast %broadcast_in_dim3A_184 : vector<512x1x16xf32> to vector<512x16x16xf32>
    %sub3A_186 = arith.subf %add3A_181, %sub3A_185 : vector<512x16x16xf32>
    %exp3A_187 = math.exp %sub3A_186 : vector<512x16x16xf32>
    %reduce_sum3A_188 = arith.constant dense<0.000000e+00> : vector<512x16xf32>
    %reduce_sum3A_189 = vector.multi_reduction <add>, %exp3A_187, %reduce_sum3A_188 [1] : vector<512x16x16xf32> to vector<512x16xf32>
    %broadcast_in_dim3A_190 = vector.shape_cast %reduce_sum3A_189 : vector<512x16xf32> to vector<512x1x16xf32>
    %div3A_191 = vector.broadcast %broadcast_in_dim3A_190 : vector<512x1x16xf32> to vector<512x16x16xf32>
    %div3A_192 = arith.divf %exp3A_187, %div3A_191 : vector<512x16x16xf32>
    %slice3A_193 = vector.extract_strided_slice %div3A_192 {offsets = [0, 0, 0], sizes = [512, 16, 8], strides = [1, 1, 1]} : vector<512x16x16xf32> to vector<512x16x8xf32>
    %mul3A_194 = arith.mulf %slice3A_193, %add3A_170 : vector<512x16x8xf32>
    %reduce_sum3A_195 = arith.constant dense<0.000000e+00> : vector<512x8xf32>
    %reduce_sum3A_196 = vector.multi_reduction <add>, %mul3A_194, %reduce_sum3A_195 [1] : vector<512x16x8xf32> to vector<512x8xf32>
    %slice3A_197 = vector.extract_strided_slice %div3A_192 {offsets = [0, 0, 8], sizes = [512, 16, 8], strides = [1, 1, 1]} : vector<512x16x16xf32> to vector<512x16x8xf32>
    %reduce_sum3A_198 = arith.constant dense<0.000000e+00> : vector<512x8xf32>
    %reduce_sum3A_199 = vector.multi_reduction <add>, %slice3A_197, %reduce_sum3A_198 [1] : vector<512x16x8xf32> to vector<512x8xf32>
    %mul3A_200 = arith.mulf %add3A_134, %reduce_sum3A_199 : vector<512x8xf32>
    %concatenate3A_201 = tpu.concatenate %reduce_sum3A_196, %mul3A_200 in 1 : vector<512x8xf32>, vector<512x8xf32> -> vector<512x16xf32>
    %slice3A_202 = vector.extract_strided_slice %get3A_1 {offsets = [74, 0], sizes = [16, 16], strides = [1, 1]} : vector<134x32xf32> to vector<16x16xf32>
    %dot_general3A_203 = arith.constant dense<0.000000e+00> : vector<512x16xf32>
    %dot_general3A_204 = tpu.matmul %concatenate3A_201, %slice3A_202, %dot_general3A_203 {dimension_numbers = #tpu.dot_dimension_numbers<[1], [0], [0], [1], [0, 0, 1, 1], [], []>, transpose_lhs_hint = false} : vector<512x16xf32>, vector<16x16xf32>, vector<512x16xf32> -> vector<512x16xf32>
    %slice3A_205 = vector.extract_strided_slice %get3A_1 {offsets = [127, 0], sizes = [1, 16], strides = [1, 1]} : vector<134x32xf32> to vector<1x16xf32>
    %squeeze3A_206 = vector.shape_cast %slice3A_205 : vector<1x16xf32> to vector<16xf32>
    %broadcast_in_dim3A_207 = vector.shape_cast %squeeze3A_206 : vector<16xf32> to vector<1x16xf32>
    %add3A_208 = vector.broadcast %broadcast_in_dim3A_207 : vector<1x16xf32> to vector<512x16xf32>
    %add3A_209 = arith.addf %dot_general3A_204, %add3A_208 : vector<512x16xf32>
    %max3A_210 = arith.constant 0.000000e+00 : f32
    %max3A_211 = vector.broadcast %max3A_210 : f32 to vector<512x16xf32>
    %max3A_212 = arith.maximumf %add3A_209, %max3A_211 : vector<512x16xf32>
    %slice3A_213 = vector.extract_strided_slice %get3A_1 {offsets = [128, 0], sizes = [1, 16], strides = [1, 1]} : vector<134x32xf32> to vector<1x16xf32>
    %squeeze3A_214 = vector.shape_cast %slice3A_213 : vector<1x16xf32> to vector<16xf32>
    %broadcast_in_dim3A_215 = vector.shape_cast %squeeze3A_214 : vector<16xf32> to vector<1x16xf32>
    %mul3A_216 = vector.broadcast %broadcast_in_dim3A_215 : vector<1x16xf32> to vector<512x16xf32>
    %mul3A_217 = arith.mulf %max3A_212, %mul3A_216 : vector<512x16xf32>
    %slice3A_218 = vector.extract_strided_slice %get3A_1 {offsets = [129, 0], sizes = [1, 16], strides = [1, 1]} : vector<134x32xf32> to vector<1x16xf32>
    %squeeze3A_219 = vector.shape_cast %slice3A_218 : vector<1x16xf32> to vector<16xf32>
    %broadcast_in_dim3A_220 = vector.shape_cast %squeeze3A_219 : vector<16xf32> to vector<1x16xf32>
    %add3A_221 = vector.broadcast %broadcast_in_dim3A_220 : vector<1x16xf32> to vector<512x16xf32>
    %add3A_222 = arith.addf %mul3A_217, %add3A_221 : vector<512x16xf32>
    %slice3A_223 = vector.extract_strided_slice %get3A_1 {offsets = [106, 0], sizes = [8, 32], strides = [1, 1]} : vector<134x32xf32> to vector<8x32xf32>
    %dot_general3A_224 = arith.constant dense<0.000000e+00> : vector<512x32xf32>
    %dot_general3A_225 = tpu.matmul %select_n3A, %slice3A_223, %dot_general3A_224 {dimension_numbers = #tpu.dot_dimension_numbers<[1], [0], [0], [1], [0, 0, 1, 1], [], []>, transpose_lhs_hint = false} : vector<512x8xf32>, vector<8x32xf32>, vector<512x32xf32> -> vector<512x32xf32>
    %slice3A_226 = vector.extract_strided_slice %get3A_1 {offsets = [131, 0], sizes = [1, 32], strides = [1, 1]} : vector<134x32xf32> to vector<1x32xf32>
    %squeeze3A_227 = vector.shape_cast %slice3A_226 : vector<1x32xf32> to vector<32xf32>
    %broadcast_in_dim3A_228 = vector.shape_cast %squeeze3A_227 : vector<32xf32> to vector<1x32xf32>
    %add3A_229 = vector.broadcast %broadcast_in_dim3A_228 : vector<1x32xf32> to vector<512x32xf32>
    %add3A_230 = arith.addf %dot_general3A_225, %add3A_229 : vector<512x32xf32>
    %slice3A_231 = vector.extract_strided_slice %get3A_1 {offsets = [132, 0], sizes = [1, 32], strides = [1, 1]} : vector<134x32xf32> to vector<1x32xf32>
    %squeeze3A_232 = vector.shape_cast %slice3A_231 : vector<1x32xf32> to vector<32xf32>
    %broadcast_in_dim3A_233 = vector.shape_cast %squeeze3A_232 : vector<32xf32> to vector<1x32xf32>
    %mul3A_234 = vector.broadcast %broadcast_in_dim3A_233 : vector<1x32xf32> to vector<512x32xf32>
    %mul3A_235 = arith.mulf %add3A_230, %mul3A_234 : vector<512x32xf32>
    %slice3A_236 = vector.extract_strided_slice %get3A_1 {offsets = [133, 0], sizes = [1, 32], strides = [1, 1]} : vector<134x32xf32> to vector<1x32xf32>
    %squeeze3A_237 = vector.shape_cast %slice3A_236 : vector<1x32xf32> to vector<32xf32>
    %broadcast_in_dim3A_238 = vector.shape_cast %squeeze3A_237 : vector<32xf32> to vector<1x32xf32>
    %add3A_239 = vector.broadcast %broadcast_in_dim3A_238 : vector<1x32xf32> to vector<512x32xf32>
    %add3A_240 = arith.addf %mul3A_235, %add3A_239 : vector<512x32xf32>
    %slice3A_241 = vector.extract_strided_slice %get3A_1 {offsets = [90, 0], sizes = [16, 32], strides = [1, 1]} : vector<134x32xf32> to vector<16x32xf32>
    %dot_general3A_242 = arith.constant dense<0.000000e+00> : vector<512x32xf32>
    %dot_general3A_243 = tpu.matmul %add3A_222, %slice3A_241, %dot_general3A_242 {dimension_numbers = #tpu.dot_dimension_numbers<[1], [0], [0], [1], [0, 0, 1, 1], [], []>, transpose_lhs_hint = false} : vector<512x16xf32>, vector<16x32xf32>, vector<512x32xf32> -> vector<512x32xf32>
    %slice3A_244 = vector.extract_strided_slice %get3A_1 {offsets = [130, 0], sizes = [1, 32], strides = [1, 1]} : vector<134x32xf32> to vector<1x32xf32>
    %squeeze3A_245 = vector.shape_cast %slice3A_244 : vector<1x32xf32> to vector<32xf32>
    %broadcast_in_dim3A_246 = vector.shape_cast %squeeze3A_245 : vector<32xf32> to vector<1x32xf32>
    %add3A_247 = vector.broadcast %broadcast_in_dim3A_246 : vector<1x32xf32> to vector<512x32xf32>
    %add3A_248 = arith.addf %dot_general3A_243, %add3A_247 : vector<512x32xf32>
    %add3A_249 = arith.addf %add3A_248, %add3A_240 : vector<512x32xf32>
    %ge3A_250 = arith.constant 0.000000e+00 : f32
    %ge3A_251 = vector.broadcast %ge3A_250 : f32 to vector<512x32xf32>
    %ge3A_252 = arith.cmpf oge, %add3A_249, %ge3A_251 : vector<512x32xf32>
    %mul3A_253 = arith.constant 0.00999999977 : f32
    %mul3A_254 = vector.broadcast %mul3A_253 : f32 to vector<512x32xf32>
    %mul3A_255 = arith.mulf %mul3A_254, %add3A_249 : vector<512x32xf32>
    %select_n3A_256 = arith.select %ge3A_252, %add3A_249, %mul3A_255 : vector<512x32xi1>, vector<512x32xf32>
    %swap3A = arith.constant 0 : index
    %swap3A_257 = arith.constant 0 : index
    %swap3A_258 = arith.constant 0 : index
    %swap3A_259 = vector.load %arg6[%swap3A, %swap3A_257, %swap3A_258] : memref<1x512x32xf32, #tpu.memory_space<vmem>>, vector<1x512x32xf32>
    %swap3A_260 = vector.shape_cast %swap3A_259 : vector<1x512x32xf32> to vector<512x32xf32>
    %swap3A_261 = vector.shape_cast %select_n3A_256 : vector<512x32xf32> to vector<1x512x32xf32>
    tpu.vector_store %arg6[%swap3A, %swap3A_257, %swap3A_258], %swap3A_261 {strides = array<i32>} : memref<1x512x32xf32, #tpu.memory_space<vmem>>, vector<1x512x32xf32>,
    return
  }
  func.func @transform_0(%arg0: i32, %arg1: i32) -> (i32, i32, i32) {
    %c0_i32 = arith.constant 0 : i32
    %c0_i32_0 = arith.constant 0 : i32
    return %arg0, %arg1, %c0_i32 : i32, i32, i32
  }
  func.func @transform_1(%arg0: i32, %arg1: i32) -> (i32, i32, i32) {
    %c0_i32 = arith.constant 0 : i32
    %c0_i32_0 = arith.constant 0 : i32
    return %arg0, %arg1, %c0_i32 : i32, i32, i32
  }
  func.func @transform_2(%arg0: i32, %arg1: i32) -> (i32, i32, i32) {
    %c0_i32 = arith.constant 0 : i32
    %c0_i32_0 = arith.constant 0 : i32
    return %arg0, %arg1, %c0_i32 : i32, i32, i32
  }
  func.func @transform_3(%arg0: i32, %arg1: i32) -> (i32, i32) {
    %c0_i32 = arith.constant 0 : i32
    %c0_i32_0 = arith.constant 0 : i32
    %c0_i32_1 = arith.constant 0 : i32
    return %c0_i32, %c0_i32_0 : i32, i32
  }
  func.func @transform_4(%arg0: i32, %arg1: i32) -> (i32, i32, i32) {
    %c0_i32 = arith.constant 0 : i32
    %c0_i32_0 = arith.constant 0 : i32
    return %arg0, %arg1, %c0_i32 : i32, i32, i32
  }
}

module attributes {stable_mosaic.version = 14 : i64} {
  func.func @_head_body(%arg0: memref<408x259xf32, #tpu.memory_space<vmem>>, %arg1: memref<259x256xf32, #tpu.memory_space<vmem>>, %arg2: memref<256x512xf32, #tpu.memory_space<vmem>>, %arg3: memref<512x1024xf32, #tpu.memory_space<vmem>>, %arg4: memref<1024x512xf32, #tpu.memory_space<vmem>>, %arg5: memref<512x256xf32, #tpu.memory_space<vmem>>, %arg6: memref<256x128xf32, #tpu.memory_space<vmem>>, %arg7: memref<128x2xf32, #tpu.memory_space<vmem>>, %arg8: memref<13x1024xf32, #tpu.memory_space<vmem>>, %arg9: memref<4x2xf32, #tpu.memory_space<vmem>>) attributes {dimension_semantics = [], scalar_prefetch = 0 : i64, scratch_operands = 0 : i64, tpu.core_type = #tpu.core_type<tc>} {
    %get3A = arith.constant 0 : index
    %get3A_0 = arith.constant 0 : index
    %get3A_1 = vector.load %arg8[%get3A, %get3A_0] : memref<13x1024xf32, #tpu.memory_space<vmem>>, vector<13x1024xf32>
    %get3A_2 = arith.constant 0 : index
    %get3A_3 = arith.constant 0 : index
    %get3A_4 = vector.load %arg0[%get3A_2, %get3A_3] : memref<408x259xf32, #tpu.memory_space<vmem>>, vector<408x259xf32>
    %get3A_5 = arith.constant 0 : index
    %get3A_6 = arith.constant 0 : index
    %get3A_7 = vector.load %arg1[%get3A_5, %get3A_6] : memref<259x256xf32, #tpu.memory_space<vmem>>, vector<259x256xf32>
    %dot_general3A = arith.constant dense<0.000000e+00> : vector<408x256xf32>
    %dot_general3A_8 = tpu.matmul %get3A_4, %get3A_7, %dot_general3A {dimension_numbers = #tpu.dot_dimension_numbers<[1], [0], [0], [1], [0, 0, 1, 1], [], []>, transpose_lhs_hint = false} : vector<408x259xf32>, vector<259x256xf32>, vector<408x256xf32> -> vector<408x256xf32>
    %slice3A = vector.extract_strided_slice %get3A_1 {offsets = [0, 0], sizes = [1, 256], strides = [1, 1]} : vector<13x1024xf32> to vector<1x256xf32>
    %squeeze3A = vector.shape_cast %slice3A : vector<1x256xf32> to vector<256xf32>
    %broadcast_in_dim3A = vector.shape_cast %squeeze3A : vector<256xf32> to vector<1x256xf32>
    %add3A = vector.broadcast %broadcast_in_dim3A : vector<1x256xf32> to vector<408x256xf32>
    %add3A_9 = arith.addf %dot_general3A_8, %add3A : vector<408x256xf32>
    %max3A = arith.constant 0.000000e+00 : f32
    %max3A_10 = vector.broadcast %max3A : f32 to vector<408x256xf32>
    %max3A_11 = arith.maximumf %add3A_9, %max3A_10 : vector<408x256xf32>
    %slice3A_12 = vector.extract_strided_slice %get3A_1 {offsets = [1, 0], sizes = [1, 256], strides = [1, 1]} : vector<13x1024xf32> to vector<1x256xf32>
    %squeeze3A_13 = vector.shape_cast %slice3A_12 : vector<1x256xf32> to vector<256xf32>
    %broadcast_in_dim3A_14 = vector.shape_cast %squeeze3A_13 : vector<256xf32> to vector<1x256xf32>
    %mul3A = vector.broadcast %broadcast_in_dim3A_14 : vector<1x256xf32> to vector<408x256xf32>
    %mul3A_15 = arith.mulf %max3A_11, %mul3A : vector<408x256xf32>
    %slice3A_16 = vector.extract_strided_slice %get3A_1 {offsets = [2, 0], sizes = [1, 256], strides = [1, 1]} : vector<13x1024xf32> to vector<1x256xf32>
    %squeeze3A_17 = vector.shape_cast %slice3A_16 : vector<1x256xf32> to vector<256xf32>
    %broadcast_in_dim3A_18 = vector.shape_cast %squeeze3A_17 : vector<256xf32> to vector<1x256xf32>
    %add3A_19 = vector.broadcast %broadcast_in_dim3A_18 : vector<1x256xf32> to vector<408x256xf32>
    %add3A_20 = arith.addf %mul3A_15, %add3A_19 : vector<408x256xf32>
    %get3A_21 = arith.constant 0 : index
    %get3A_22 = arith.constant 0 : index
    %get3A_23 = vector.load %arg2[%get3A_21, %get3A_22] : memref<256x512xf32, #tpu.memory_space<vmem>>, vector<256x512xf32>
    %dot_general3A_24 = arith.constant dense<0.000000e+00> : vector<408x512xf32>
    %dot_general3A_25 = tpu.matmul %add3A_20, %get3A_23, %dot_general3A_24 {dimension_numbers = #tpu.dot_dimension_numbers<[1], [0], [0], [1], [0, 0, 1, 1], [], []>, transpose_lhs_hint = false} : vector<408x256xf32>, vector<256x512xf32>, vector<408x512xf32> -> vector<408x512xf32>
    %slice3A_26 = vector.extract_strided_slice %get3A_1 {offsets = [3, 0], sizes = [1, 512], strides = [1, 1]} : vector<13x1024xf32> to vector<1x512xf32>
    %squeeze3A_27 = vector.shape_cast %slice3A_26 : vector<1x512xf32> to vector<512xf32>
    %broadcast_in_dim3A_28 = vector.shape_cast %squeeze3A_27 : vector<512xf32> to vector<1x512xf32>
    %add3A_29 = vector.broadcast %broadcast_in_dim3A_28 : vector<1x512xf32> to vector<408x512xf32>
    %add3A_30 = arith.addf %dot_general3A_25, %add3A_29 : vector<408x512xf32>
    %max3A_31 = arith.constant 0.000000e+00 : f32
    %max3A_32 = vector.broadcast %max3A_31 : f32 to vector<408x512xf32>
    %max3A_33 = arith.maximumf %add3A_30, %max3A_32 : vector<408x512xf32>
    %slice3A_34 = vector.extract_strided_slice %get3A_1 {offsets = [4, 0], sizes = [1, 512], strides = [1, 1]} : vector<13x1024xf32> to vector<1x512xf32>
    %squeeze3A_35 = vector.shape_cast %slice3A_34 : vector<1x512xf32> to vector<512xf32>
    %broadcast_in_dim3A_36 = vector.shape_cast %squeeze3A_35 : vector<512xf32> to vector<1x512xf32>
    %mul3A_37 = vector.broadcast %broadcast_in_dim3A_36 : vector<1x512xf32> to vector<408x512xf32>
    %mul3A_38 = arith.mulf %max3A_33, %mul3A_37 : vector<408x512xf32>
    %slice3A_39 = vector.extract_strided_slice %get3A_1 {offsets = [5, 0], sizes = [1, 512], strides = [1, 1]} : vector<13x1024xf32> to vector<1x512xf32>
    %squeeze3A_40 = vector.shape_cast %slice3A_39 : vector<1x512xf32> to vector<512xf32>
    %broadcast_in_dim3A_41 = vector.shape_cast %squeeze3A_40 : vector<512xf32> to vector<1x512xf32>
    %add3A_42 = vector.broadcast %broadcast_in_dim3A_41 : vector<1x512xf32> to vector<408x512xf32>
    %add3A_43 = arith.addf %mul3A_38, %add3A_42 : vector<408x512xf32>
    %get3A_44 = arith.constant 0 : index
    %get3A_45 = arith.constant 0 : index
    %get3A_46 = vector.load %arg3[%get3A_44, %get3A_45] : memref<512x1024xf32, #tpu.memory_space<vmem>>, vector<512x1024xf32>
    %dot_general3A_47 = arith.constant dense<0.000000e+00> : vector<408x1024xf32>
    %dot_general3A_48 = tpu.matmul %add3A_43, %get3A_46, %dot_general3A_47 {dimension_numbers = #tpu.dot_dimension_numbers<[1], [0], [0], [1], [0, 0, 1, 1], [], []>, transpose_lhs_hint = false} : vector<408x512xf32>, vector<512x1024xf32>, vector<408x1024xf32> -> vector<408x1024xf32>
    %slice3A_49 = vector.extract_strided_slice %get3A_1 {offsets = [6, 0], sizes = [1, 1024], strides = [1, 1]} : vector<13x1024xf32> to vector<1x1024xf32>
    %squeeze3A_50 = vector.shape_cast %slice3A_49 : vector<1x1024xf32> to vector<1024xf32>
    %broadcast_in_dim3A_51 = vector.shape_cast %squeeze3A_50 : vector<1024xf32> to vector<1x1024xf32>
    %add3A_52 = vector.broadcast %broadcast_in_dim3A_51 : vector<1x1024xf32> to vector<408x1024xf32>
    %add3A_53 = arith.addf %dot_general3A_48, %add3A_52 : vector<408x1024xf32>
    %max3A_54 = arith.constant 0.000000e+00 : f32
    %max3A_55 = vector.broadcast %max3A_54 : f32 to vector<408x1024xf32>
    %max3A_56 = arith.maximumf %add3A_53, %max3A_55 : vector<408x1024xf32>
    %slice3A_57 = vector.extract_strided_slice %get3A_1 {offsets = [7, 0], sizes = [1, 1024], strides = [1, 1]} : vector<13x1024xf32> to vector<1x1024xf32>
    %squeeze3A_58 = vector.shape_cast %slice3A_57 : vector<1x1024xf32> to vector<1024xf32>
    %broadcast_in_dim3A_59 = vector.shape_cast %squeeze3A_58 : vector<1024xf32> to vector<1x1024xf32>
    %mul3A_60 = vector.broadcast %broadcast_in_dim3A_59 : vector<1x1024xf32> to vector<408x1024xf32>
    %mul3A_61 = arith.mulf %max3A_56, %mul3A_60 : vector<408x1024xf32>
    %slice3A_62 = vector.extract_strided_slice %get3A_1 {offsets = [8, 0], sizes = [1, 1024], strides = [1, 1]} : vector<13x1024xf32> to vector<1x1024xf32>
    %squeeze3A_63 = vector.shape_cast %slice3A_62 : vector<1x1024xf32> to vector<1024xf32>
    %broadcast_in_dim3A_64 = vector.shape_cast %squeeze3A_63 : vector<1024xf32> to vector<1x1024xf32>
    %add3A_65 = vector.broadcast %broadcast_in_dim3A_64 : vector<1x1024xf32> to vector<408x1024xf32>
    %add3A_66 = arith.addf %mul3A_61, %add3A_65 : vector<408x1024xf32>
    %slice3A_67 = vector.extract_strided_slice %add3A_66 {offsets = [0, 0], sizes = [102, 1024], strides = [1, 1]} : vector<408x1024xf32> to vector<102x1024xf32>
    %reduce_max3A = arith.constant dense<0xFF800000> : vector<1024xf32>
    %reduce_max3A_68 = vector.multi_reduction <maximumf>, %slice3A_67, %reduce_max3A [0] : vector<102x1024xf32> to vector<1024xf32>
    %broadcast_in_dim3A_69 = vector.shape_cast %reduce_max3A_68 : vector<1024xf32> to vector<1x1024xf32>
    %slice3A_70 = vector.extract_strided_slice %add3A_66 {offsets = [102, 0], sizes = [102, 1024], strides = [1, 1]} : vector<408x1024xf32> to vector<102x1024xf32>
    %reduce_max3A_71 = arith.constant dense<0xFF800000> : vector<1024xf32>
    %reduce_max3A_72 = vector.multi_reduction <maximumf>, %slice3A_70, %reduce_max3A_71 [0] : vector<102x1024xf32> to vector<1024xf32>
    %broadcast_in_dim3A_73 = vector.shape_cast %reduce_max3A_72 : vector<1024xf32> to vector<1x1024xf32>
    %slice3A_74 = vector.extract_strided_slice %add3A_66 {offsets = [204, 0], sizes = [102, 1024], strides = [1, 1]} : vector<408x1024xf32> to vector<102x1024xf32>
    %reduce_max3A_75 = arith.constant dense<0xFF800000> : vector<1024xf32>
    %reduce_max3A_76 = vector.multi_reduction <maximumf>, %slice3A_74, %reduce_max3A_75 [0] : vector<102x1024xf32> to vector<1024xf32>
    %broadcast_in_dim3A_77 = vector.shape_cast %reduce_max3A_76 : vector<1024xf32> to vector<1x1024xf32>
    %slice3A_78 = vector.extract_strided_slice %add3A_66 {offsets = [306, 0], sizes = [102, 1024], strides = [1, 1]} : vector<408x1024xf32> to vector<102x1024xf32>
    %reduce_max3A_79 = arith.constant dense<0xFF800000> : vector<1024xf32>
    %reduce_max3A_80 = vector.multi_reduction <maximumf>, %slice3A_78, %reduce_max3A_79 [0] : vector<102x1024xf32> to vector<1024xf32>
    %broadcast_in_dim3A_81 = vector.shape_cast %reduce_max3A_80 : vector<1024xf32> to vector<1x1024xf32>
    %concatenate3A = tpu.concatenate %broadcast_in_dim3A_69, %broadcast_in_dim3A_73, %broadcast_in_dim3A_77, %broadcast_in_dim3A_81 in 0 : vector<1x1024xf32>, vector<1x1024xf32>, vector<1x1024xf32>, vector<1x1024xf32> -> vector<4x1024xf32>
    %get3A_82 = arith.constant 0 : index
    %get3A_83 = arith.constant 0 : index
    %get3A_84 = vector.load %arg4[%get3A_82, %get3A_83] : memref<1024x512xf32, #tpu.memory_space<vmem>>, vector<1024x512xf32>
    %dot_general3A_85 = arith.constant dense<0.000000e+00> : vector<4x512xf32>
    %dot_general3A_86 = tpu.matmul %concatenate3A, %get3A_84, %dot_general3A_85 {dimension_numbers = #tpu.dot_dimension_numbers<[1], [0], [0], [1], [0, 0, 1, 1], [], []>, transpose_lhs_hint = false} : vector<4x1024xf32>, vector<1024x512xf32>, vector<4x512xf32> -> vector<4x512xf32>
    %slice3A_87 = vector.extract_strided_slice %get3A_1 {offsets = [9, 0], sizes = [1, 512], strides = [1, 1]} : vector<13x1024xf32> to vector<1x512xf32>
    %squeeze3A_88 = vector.shape_cast %slice3A_87 : vector<1x512xf32> to vector<512xf32>
    %broadcast_in_dim3A_89 = vector.shape_cast %squeeze3A_88 : vector<512xf32> to vector<1x512xf32>
    %add3A_90 = vector.broadcast %broadcast_in_dim3A_89 : vector<1x512xf32> to vector<4x512xf32>
    %add3A_91 = arith.addf %dot_general3A_86, %add3A_90 : vector<4x512xf32>
    %max3A_92 = arith.constant 0.000000e+00 : f32
    %max3A_93 = vector.broadcast %max3A_92 : f32 to vector<4x512xf32>
    %max3A_94 = arith.maximumf %add3A_91, %max3A_93 : vector<4x512xf32>
    %get3A_95 = arith.constant 0 : index
    %get3A_96 = arith.constant 0 : index
    %get3A_97 = vector.load %arg5[%get3A_95, %get3A_96] : memref<512x256xf32, #tpu.memory_space<vmem>>, vector<512x256xf32>
    %dot_general3A_98 = arith.constant dense<0.000000e+00> : vector<4x256xf32>
    %dot_general3A_99 = tpu.matmul %max3A_94, %get3A_97, %dot_general3A_98 {dimension_numbers = #tpu.dot_dimension_numbers<[1], [0], [0], [1], [0, 0, 1, 1], [], []>, transpose_lhs_hint = false} : vector<4x512xf32>, vector<512x256xf32>, vector<4x256xf32> -> vector<4x256xf32>
    %slice3A_100 = vector.extract_strided_slice %get3A_1 {offsets = [10, 0], sizes = [1, 256], strides = [1, 1]} : vector<13x1024xf32> to vector<1x256xf32>
    %squeeze3A_101 = vector.shape_cast %slice3A_100 : vector<1x256xf32> to vector<256xf32>
    %broadcast_in_dim3A_102 = vector.shape_cast %squeeze3A_101 : vector<256xf32> to vector<1x256xf32>
    %add3A_103 = vector.broadcast %broadcast_in_dim3A_102 : vector<1x256xf32> to vector<4x256xf32>
    %add3A_104 = arith.addf %dot_general3A_99, %add3A_103 : vector<4x256xf32>
    %max3A_105 = arith.constant 0.000000e+00 : f32
    %max3A_106 = vector.broadcast %max3A_105 : f32 to vector<4x256xf32>
    %max3A_107 = arith.maximumf %add3A_104, %max3A_106 : vector<4x256xf32>
    %get3A_108 = arith.constant 0 : index
    %get3A_109 = arith.constant 0 : index
    %get3A_110 = vector.load %arg6[%get3A_108, %get3A_109] : memref<256x128xf32, #tpu.memory_space<vmem>>, vector<256x128xf32>
    %dot_general3A_111 = arith.constant dense<0.000000e+00> : vector<4x128xf32>
    %dot_general3A_112 = tpu.matmul %max3A_107, %get3A_110, %dot_general3A_111 {dimension_numbers = #tpu.dot_dimension_numbers<[1], [0], [0], [1], [0, 0, 1, 1], [], []>, transpose_lhs_hint = false} : vector<4x256xf32>, vector<256x128xf32>, vector<4x128xf32> -> vector<4x128xf32>
    %slice3A_113 = vector.extract_strided_slice %get3A_1 {offsets = [11, 0], sizes = [1, 128], strides = [1, 1]} : vector<13x1024xf32> to vector<1x128xf32>
    %squeeze3A_114 = vector.shape_cast %slice3A_113 : vector<1x128xf32> to vector<128xf32>
    %broadcast_in_dim3A_115 = vector.shape_cast %squeeze3A_114 : vector<128xf32> to vector<1x128xf32>
    %add3A_116 = vector.broadcast %broadcast_in_dim3A_115 : vector<1x128xf32> to vector<4x128xf32>
    %add3A_117 = arith.addf %dot_general3A_112, %add3A_116 : vector<4x128xf32>
    %max3A_118 = arith.constant 0.000000e+00 : f32
    %max3A_119 = vector.broadcast %max3A_118 : f32 to vector<4x128xf32>
    %max3A_120 = arith.maximumf %add3A_117, %max3A_119 : vector<4x128xf32>
    %get3A_121 = arith.constant 0 : index
    %get3A_122 = arith.constant 0 : index
    %get3A_123 = vector.load %arg7[%get3A_121, %get3A_122] : memref<128x2xf32, #tpu.memory_space<vmem>>, vector<128x2xf32>
    %dot_general3A_124 = arith.constant dense<0.000000e+00> : vector<4x2xf32>
    %dot_general3A_125 = tpu.matmul %max3A_120, %get3A_123, %dot_general3A_124 {dimension_numbers = #tpu.dot_dimension_numbers<[1], [0], [0], [1], [0, 0, 1, 1], [], []>, transpose_lhs_hint = false} : vector<4x128xf32>, vector<128x2xf32>, vector<4x2xf32> -> vector<4x2xf32>
    %slice3A_126 = vector.extract_strided_slice %get3A_1 {offsets = [12, 0], sizes = [1, 2], strides = [1, 1]} : vector<13x1024xf32> to vector<1x2xf32>
    %squeeze3A_127 = vector.shape_cast %slice3A_126 : vector<1x2xf32> to vector<2xf32>
    %broadcast_in_dim3A_128 = vector.shape_cast %squeeze3A_127 : vector<2xf32> to vector<1x2xf32>
    %add3A_129 = vector.broadcast %broadcast_in_dim3A_128 : vector<1x2xf32> to vector<4x2xf32>
    %add3A_130 = arith.addf %dot_general3A_125, %add3A_129 : vector<4x2xf32>
    %reduce_max3A_131 = arith.constant dense<0xFF800000> : vector<4xf32>
    %reduce_max3A_132 = vector.multi_reduction <maximumf>, %add3A_130, %reduce_max3A_131 [1] : vector<4x2xf32> to vector<4xf32>
    %broadcast_in_dim3A_133 = vector.shape_cast %reduce_max3A_132 : vector<4xf32> to vector<4x1xf32>
    %sub3A = vector.broadcast %broadcast_in_dim3A_133 : vector<4x1xf32> to vector<4x2xf32>
    %sub3A_134 = arith.subf %add3A_130, %sub3A : vector<4x2xf32>
    %exp3A = math.exp %sub3A_134 : vector<4x2xf32>
    %reduce_sum3A = arith.constant dense<0.000000e+00> : vector<4xf32>
    %reduce_sum3A_135 = vector.multi_reduction <add>, %exp3A, %reduce_sum3A [1] : vector<4x2xf32> to vector<4xf32>
    %broadcast_in_dim3A_136 = vector.shape_cast %reduce_sum3A_135 : vector<4xf32> to vector<4x1xf32>
    %log3A = math.log %broadcast_in_dim3A_136 : vector<4x1xf32>
    %sub3A_137 = vector.broadcast %log3A : vector<4x1xf32> to vector<4x2xf32>
    %sub3A_138 = arith.subf %sub3A_134, %sub3A_137 : vector<4x2xf32>
    %swap3A = arith.constant 0 : index
    %swap3A_139 = arith.constant 0 : index
    %swap3A_140 = vector.load %arg9[%swap3A, %swap3A_139] : memref<4x2xf32, #tpu.memory_space<vmem>>, vector<4x2xf32>
    tpu.vector_store %arg9[%swap3A, %swap3A_139], %sub3A_138 {strides = array<i32>} : memref<4x2xf32, #tpu.memory_space<vmem>>, vector<4x2xf32>,
    return
  }
}

</mosaic_0001>

<sc_bundles>
// kernel: kernel.6.cloned.1.call-start
scs
__scs_entry_jumppad:
0x0: {  	(pc) =	sbr.rel $0x88, $3  }
0x1: {  	(tag) =	ssettag $0x0;
	lr =	simm.s32 $0x1  }
0x2: {  	[smem:$0x3F4A] =	sst lr;
	_ =	strace $0xD0000000  }
0x3: {  	_ = 	snop  }
0x4: {  	_ = 	snop  }
0x5: {  	_ = 	snop  }
0x6: {  	_ = 	snop  }
0x7: {  	_ = 	snop  }
__scs_overlays_trampoline_lowered:
0x8: {  	[smem:$0x3F59] =	sst s0  }
0x9: {  	[smem:$0x3F5A] =	sst s1  }
0xa: {  	[smem:$0x3F5B] =	sst s2  }
0xb: {  	[smem:$0x3F5C] =	sst s3  }
0xc: {  	[smem:$0x3F5D] =	sst s4  }
0xd: {  	[smem:$0x3F5E] =	sst s5  }
0xe: {  	[smem:$0x3F5F] =	sst s6  }
0xf: {  	[smem:$0x3F60] =	sst s7  }
0x10: {  	[smem:$0x3F61] =	sst s8  }
0x11: {  	[smem:$0x3F62] =	sst s9;
	s0 =	simm.s32 @!p0 $0x0  }
0x12: {  	s1 =	sld [smem:$0x3F48];
	s0 =	simm.s32 @p0 $0x1  }
0x13: {  	[smem:$0x3F63] =	sst s0;
	s0 =	simm.s32 @!p1 $0x0  }
0x14: {  	s2 =	sld [smem:$0x3F47];
	s0 =	simm.s32 @p1 $0x1  }
0x15: {  	[smem:$0x3F64] =	sst s0;
	s0 =	simm.s32 @!p2 $0x0  }
0x16: {  	s3 =	sld [smem:$0x3FDB];
	s0 =	simm.s32 @p2 $0x1  }
0x17: {  	s4 =	simm.s32 $0x1BF5;
	[smem:$0x3F66] =	sst s0  }
0x18: {  	s0 =	sld [smem:$0x3F49];
	_ =	swait.ge [sflag:s4], $0x0  }
0x19: {  	s7 =	sld [smem:$0x3F4A]  }
0x1a: {  	s8 =	sadd.s32 $0xFFFFE003, lr  }
0x1b: {  	s9 =	sadd.s32 $0xFFFFFEF7, lr;
	s5 =	simm.s32 $0xFFFFFFFF;
	p2 =	slt.u32 s8, $0xFFFFF086  }
0x1c: {  	p1 =	slt.u32 s9, $0xF7A;
	s5 =	simm.s32 @!p2 $0x0  }
0x1d: {  	s5 =	simm.s32 @p1 $0x1;
	p0 =	seq.s32 s7, s2  }
0x1e: {  	s7 =	smul.u32 @!p0 $0xF7A, s2;
	p2 =	seq.s32 @!p0 s5, $0x0  }
0x1f: {  	s9 =	smul.u32 $0xF7A, s1;
	s8 =	simm.s32 @!p0 $0x1BF5;
	p2 =	por !p2, p0  }
0x20: {  	[sflag:s8] =	ssyncset.s32 @!p0 $0xFFFFF086;
	s6 =	sadd.s32 @!p0 s3, s7;
	s7 =	simm.s32 @!p0 $0x108  }
0x21: {  	s3 =	sadd.s32 s3, s9;
	s6 =	sadd.s32 @!p0 $0x88, s6;
	s7 =	simm.s32 @p2 $0x1082  }
0x22: {  	[simem:s7], [sflag:s8] =	dma.local @!p0 [hbm:s6], $0xF7A  }
0x23: {  	s9 =	sor.u32 $0xD0000000, s2;
	s6 =	simm.s32 $0x108;
	_ =	swait.ge @!p0 [sflag:s8], $0x0  }
0x24: {  	s3 =	sadd.s32 $0x88, s3;
	s6 =	simm.s32 @!p1 $0x1082;
	[sflag:s4] =	ssyncset.s32 $0xFFFFF086  }
0x25: {  	[simem:s6], [sflag:s4] =	dma.local [hbm:s3], $0xF7A  }
0x26: {  	[smem:$0x3F4A] =	sst s1;
	(tag) =	ssettag s2;
	_ =	strace s9  }
0x27: {  	s1 =	sld [smem:$0x3F5A]  }
0x28: {  	s2 =	sld [smem:$0x3F5B]  }
0x29: {  	s4 =	sld [smem:$0x3F5D]  }
0x2a: {  	p0 =	seq.s32 s5, $0x0;
	s5 =	sld [smem:$0x3F5E]  }
0x2b: {  	s6 =	sld [smem:$0x3F5F]  }
0x2c: {  	s7 =	sld [smem:$0x3F60]  }
0x2d: {  	s3 =	simm.s32 $0x108;
	s8 =	sld [smem:$0x3F61]  }
0x2e: {  	s3 =	simm.s32 @!p0 $0x1082;
	s9 =	sld [smem:$0x3F62]  }
0x2f: {  	lr =	sadd.s32 s0, s3;
	s0 =	sld [smem:$0x3F59]  }
0x30: {  	s3 =	sld [smem:$0x3F5C]  }
0x31: {  	[smem:$0x3F65] =	sst s10  }
0x32: {  	s10 =	sld [smem:$0x3F63];
	_ =	sdelay $0x3  }
0x33: {  	p0 =	seq.s32 s10, $0x1;
	s10 =	sld [smem:$0x3F65];
	_ =	sdelay $0x3  }
0x34: {  	[smem:$0x3F65] =	sst s10  }
0x35: {  	s10 =	sld [smem:$0x3F64];
	_ =	sdelay $0x3  }
0x36: {  	p1 =	seq.s32 s10, $0x1;
	s10 =	sld [smem:$0x3F65];
	_ =	sdelay $0x3  }
0x37: {  	[smem:$0x3F65] =	sst s10  }
0x38: {  	s10 =	sld [smem:$0x3F66]  }
0x39: {  	_ = 	snop;
	(pc) =	sbr.ind lr, $3  }
0x3a: {  	_ = 	snop  }
0x3b: {  	_ = 	snop  }
0x3c: {  	p2 =	seq.s32 s10, $0x1;
	s10 =	sld [smem:$0x3F65]  }
0x3d: {  	_ =	shalt  }
0x3e: {  	_ =	shalt  }
0x3f: {  	_ =	shalt  }
0x40: {  	_ =	shalt  }
0x41: {  	_ =	shalt  }
0x42: {  	_ =	shalt  }
0x43: {  	_ =	shalt  }
0x44: {  	_ =	shalt  }
0x45: {  	_ =	shalt  }
0x46: {  	_ =	shalt  }
0x47: {  	_ =	shalt  }
0x48: {  	_ =	shalt  }
0x49: {  	_ =	shalt  }
0x4a: {  	_ =	shalt  }
0x4b: {  	_ =	shalt  }
0x4c: {  	_ =	shalt  }
0x4d: {  	_ =	shalt  }
0x4e: {  	_ =	shalt  }
0x4f: {  	_ =	shalt  }
0x50: {  	_ =	shalt  }
0x51: {  	_ =	shalt  }
0x52: {  	_ =	shalt  }
0x53: {  	_ =	shalt  }
0x54: {  	_ =	shalt  }
0x55: {  	_ =	shalt  }
0x56: {  	_ =	shalt  }
0x57: {  	_ =	shalt  }
0x58: {  	_ =	shalt  }
0x59: {  	_ =	shalt  }
0x5a: {  	_ =	shalt  }
0x5b: {  	_ =	shalt  }
0x5c: {  	_ =	shalt  }
0x5d: {  	_ =	shalt  }
0x5e: {  	_ =	shalt  }
0x5f: {  	_ =	shalt  }
0x60: {  	_ =	shalt  }
0x61: {  	_ =	shalt  }
0x62: {  	_ =	shalt  }
0x63: {  	_ =	shalt  }
0x64: {  	_ =	shalt  }
0x65: {  	_ =	shalt  }
0x66: {  	_ =	shalt  }
0x67: {  	_ =	shalt  }
0x68: {  	_ =	shalt  }
0x69: {  	_ =	shalt  }
0x6a: {  	_ =	shalt  }
0x6b: {  	_ =	shalt  }
0x6c: {  	_ =	shalt  }
0x6d: {  	_ =	shalt  }
0x6e: {  	_ =	shalt  }
0x6f: {  	_ =	shalt  }
0x70: {  	_ =	shalt  }
0x71: {  	_ =	shalt  }
0x72: {  	_ =	shalt  }
0x73: {  	_ =	shalt  }
0x74: {  	_ =	shalt  }
0x75: {  	_ =	shalt  }
0x76: {  	_ =	shalt  }
0x77: {  	_ =	shalt  }
0x78: {  	_ =	shalt  }
0x79: {  	_ =	shalt  }
0x7a: {  	_ =	shalt  }
0x7b: {  	_ =	shalt  }
0x7c: {  	_ =	shalt  }
0x7d: {  	_ =	shalt  }
0x7e: {  	_ =	shalt  }
0x7f: {  	_ =	shalt  }
0x80: {  	_ =	shalt  }
0x81: {  	_ =	shalt  }
0x82: {  	_ =	shalt  }
0x83: {  	_ =	shalt  }
0x84: {  	_ =	shalt  }
0x85: {  	_ =	shalt  }
0x86: {  	_ =	shalt  }
0x87: {  	_ =	shalt  }
.Lfunc_end0:
.L_simem_size_0:
called_computation_lowered:
.L_overlay_start_0:
0x88: {  	s2 =	sld [smem:$0x3FD9]  }
0x89: {  	s3 =	sld [smem:$0x3FFE];
	_ =	sdelay $0x1  }
0x8a: {  	s1 =	srdreg.scid  }
0x8b: {  	s0 =	sand.u32 $0x1, s1  }
0x8c: {  	s16 =	sshll.u32 s0, $0xA;
	s2 =	sadd.s32 s3, s2  }
0x8d: {  	s2 =	sadd.s32 s2, s16  }
0x8e: {  	[smem:$0x3F71] =	sst s2  }
0x8f: {  	_ = 	snop  }
0x90: {  	(tm) =	ssettm $0x1  }
0x91: {  	s17 =	sld [smem:$0x3FFB];
	_ =	sdelay $0x3  }
0x92: {  	_ =	strace s17  }
0x93: {  	s2 =	sld [smem:$0x3FFC];
	_ =	sdelay $0x3  }
0x94: {  	_ =	strace s2  }
0x95: {  	s2 =	sld [smem:$0x3FFD];
	_ =	sdelay $0x3  }
0x96: {  	_ =	strace s2  }
0x97: {  	_ =	strace $0x8FFFFFFF  }
0x98: {  	s18 =	sld [smem:$0x3FDB];
	_ =	sdelay $0x1  }
0x99: {  	s19 =	simm.s32 $_scs_section_size  }
0x9a: {  	s4 =	simm.s32 $_size__tile_overlayer_lowered;
	s5 =	simm.s32 $_tile_overlayer_lowered  }
0x9b: {  	s22 =	simm.s32 $0x1BFF;
	s21 =	sshll.u32 s5, $0x1;
	s2 =	sadd.s32 s19, s18  }
0x9c: {  	s6 =	simm.s32 $0x0;
	s20 =	sshll.u32 s4, $0x1;
	s4 =	sadd.s32 s21, s2  }
0x9d: {  	[timem:s6], [sflag:s22] =	dma.local [hbm:s4], s20  }
0x9e: {  	_ =	swait.ge [sflag:s22], s20  }
0x9f: {  	s3 =	ssub.s32 $0x0, s20;
	[sflag:s22] =	ssyncset.done $0x0  }
0xa0: {  	[sflag:s22] =	ssyncadd.s32 s3;
	_ =	sdelay $0x1  }
0xa1: {  	s23 =	simm.s32 $0x1B8B  }
0xa2: {  	_ =	swait.ge [sflag:s23], $0x1  }
0xa3: {  	[sflag:s23] =	ssyncset.done $0x0  }
0xa4: {  	s25 =	simm.s32 $0x1B8E;
	s24 =	sld [smem:$0x3FFE];
	[sflag:s23] =	ssyncadd.s32 $0xFFFFFFFF  }
0xa5: {  	s26 =	simm.s32 $execute0_lowered;
	[smem:$0x3FD2] =	sst s25  }
0xa6: {  	s4 =	sshll.u32 s26, $0x1;
	_ =	strace $0x80000046;
	[dreg:$0x1] =	wrdreg $0xFFFFFFFF  }
0xa7: {  	s28 =	simm.s32 $_size_execute0_lowered;
	s2 =	sadd.s32 s2, s4;
	[dreg:$0x0] =	wrdreg $0x0  }
0xa8: {  	s4 =	sshll.u32 s28, $0x1;
	[dreg:$0x2] =	wrdreg s2  }
0xa9: {  	[dreg:$0x3] =	wrdreg s4  }
0xaa: {  	[dreg:$0x4] =	wrdreg $0xC0  }
0xab: {  	_ =	task [dreg:s6], $0x5FFFF  }
0xac: {  	[dreg:$0x1] =	wrdreg $0xFFFFFFFF  }
0xad: {  	[dreg:$0x0] =	wrdreg $0x60  }
0xae: {  	[dreg:$0x2] =	wrdreg s24  }
0xaf: {  	[dreg:$0x3] =	wrdreg $0x9  }
0xb0: {  	_ =	task.clear_ibuf [dreg:s6], $0x4FFFF;
	_ =	strace $0x90000046  }
0xb1: {  	s29 =	simm.s32 $0x9;
	_ =	strace $0x80000048  }
0xb2: {  	_ =	swait.ge [sflag:s29], $0x1  }
0xb3: {  	[sflag:s29] =	ssyncadd.s32 $0xFFFFFFFF  }
0xb4: {  	_ =	strace $0x90000048  }
0xb5: {  	_ =	sfence  }
0xb6: {  	s30 =	sld [smem:$0x0];
	_ =	sdelay $0x2  }
0xb7: {  	s31 =	sshll.u32 s1, $0xD;
	s1 =	sshrl.u32 s1, $0x2  }
0xb8: {  	s3 =	sand.u32 $0x4000, s31;
	s1 =	sadd.s32 s1, s30  }
0xb9: {  	s0 =	sor.u32 s3, s0;
	s1 =	sshll.u32 s1, $0x11  }
0xba: {  	s0 =	sor.u32 s1, s0  }
0xbb: {  	s0 =	sadd.s32 $0x8F2B, s0  }
0xbc: {  	[sflag:s0] =	ssyncadd.remote.s32 $0x1  }
0xbd: {  	_ =	sfence.sel $0xFFFF  }
0xbe: {  	[dreg:$0x0] =	wrdreg $0xFFFFFFFF;
	(pc) =	sbr.abs _section_cstart, $3  }
0xbf: {  	[dreg:$0x1] =	wrdreg $0xFFFFFFFF  }
0xc0: {  	_ =	task.clear_ibuf [dreg:s6], $0x2FFFF;
	_ =	strace $0x9FFFFFFF  }
0xc1: {  	(tm) =	ssettm $0x7FFFFFFF  }
tec
execute0_lowered:
.L_overlay_start_1:
0x0: {  	(tag) =	ssettag $0x1  }
0x1: {  	s4 =	rddreg [dreg:$0x0]  }
0x2: {  	s0 =	rddreg [dreg:$0x1];
	s2 =	simm.s32 $0x0;
	s3 =	srdreg.scid  }
0x3: {  	s1 =	stileid.u32;
	s10 =	simm.s32 $0x0;
	[smem:$0x7FF] =	sst s2  }
0x4: {  	s5 =	sand.u32 $0x1, s3;
	s6 =	sshll.u32 s1, $0xE;
	s3 =	sadd.s32 $0x9E00, s4  }
0x5: {  	s8 =	sshll.u32 s1, $0xF;
	_ =	strace $0x80000047;
	s7 =	sshll.u32 s5, $0xD  }
0x6: {  	s31 =	ssub.s32 $0x2, s5;
	s8 =	sadd.s32 s8, s4;
	s5 =	sshll.u32 s5, $0xE  }
0x7: {  	s6 =	sor.u32 s7, s6;
	s9 =	sshrl.u32 s31, $0x1;
	s5 =	sadd.s32 s5, s8  }
0x8: {  	s8 =	simm.s32 $0x80;
	s6 =	sshrl.u32 s6, $0x3;
	s7 =	ssub.s32 s31, s9  }
0x9: {  	s5 =	sadd.s32 $0x11E00, s5;
	s9 =	simm.s32 $0x1;
	s6 =	sadd.s32 s6, s4  }
0xa: {  	s4 =	smax.u32 s7, $0x1;
	s7 =	simm.s32 $0x2;
	s6 =	sadd.s32 $0x1E00, s6  }
.LBB2_1:
0xb: {  	s11 =	sadd.s32 $0x0, s6  }
0xc: {  	[tilespmem:s2], [sflag:$0x2] =	stream.linear.gather [hbm4b:s11+s2], $0x80, $0x38;
	[tilespmem:$0x880] =	vst v63  }
0xd: {  	_ =	swait.ge [sflag:s7], $0x80  }
0xe: {  	[sflag:s7] =	ssyncset.done $0x0  }
0xf: {  	[sflag:s7] =	ssyncadd.s32 $0xFFFFFF80  }
0x10: {  	[tilespmem:s8], [sflag:$0x1] =	stream.indirect.gather [hbm4b:s3+s8], $0x10, s2, s8, $0xb8;
	[tilespmem:$0x880] =	vst v63  }
0x11: {  	_ =	swait.ge [sflag:s9], $0x800  }
0x12: {  	[sflag:s9] =	ssyncset.done $0x0  }
0x13: {  	[sflag:s9] =	ssyncadd.s32 $0xFFFFF800  }
0x14: {  	[hbm4b:s5+s2] =	stream.linear.scatter [tilespmem:s8], [sflag:$0x2], $0x800, $0x38;
	[tilespmem:$0x880] =	vst v63  }
0x15: {  	s12 =	simm.s32 $0x10;
	_ =	swait.ge [sflag:s7], $0x800  }
0x16: {  	s13 =	simm.s32 $0x20;
	s11 =	sadd.s32 $0x100, s5;
	[sflag:s7] =	ssyncset.done $0x0  }
.LBB2_2:
0x17: {  	s14 =	sadd.s32 s12, s6  }
0x18: {  	[sflag:s7] =	ssyncadd.s32 $0xFFFFF800;
	s12 =	smov.u32 s13;
	s15 =	sadd.s32 $0x10, s13  }
0x19: {  	[tilespmem:s2], [sflag:$0x2] =	stream.linear.gather [hbm4b:s14+s2], $0x80, $0x38;
	[tilespmem:$0x880] =	vst v63  }
0x1a: {  	p0 =	sne.s32 s13, $0x3F0;
	_ =	swait.ge [sflag:s7], $0x80  }
0x1b: {  	[sflag:s7] =	ssyncset.done $0x0  }
0x1c: {  	[sflag:s7] =	ssyncadd.s32 $0xFFFFFF80  }
0x1d: {  	[tilespmem:s8], [sflag:$0x1] =	stream.indirect.gather [hbm4b:s3+s8], $0x10, s2, s8, $0xb8;
	[tilespmem:$0x880] =	vst v63  }
0x1e: {  	_ =	swait.ge [sflag:s9], $0x800  }
.Ltmp0:
0x1f: {  	[sflag:s9] =	ssyncset.done $0x0;
	(pc) =	sbr.rel @p0 .LBB2_2-.Ltmp0, $4  }
0x20: {  	[sflag:s9] =	ssyncadd.s32 $0xFFFFF800  }
0x21: {  	[hbm4b:s11+s2] =	stream.linear.scatter [tilespmem:s8], [sflag:$0x2], $0x800, $0x38;
	[tilespmem:$0x880] =	vst v63  }
0x22: {  	_ =	swait.ge [sflag:s7], $0x800  }
0x23: {  	s13 =	smov.u32 s15;
	s11 =	sadd.s32 $0x100, s11;
	[sflag:s7] =	ssyncset.done $0x0  }
0x24: {  	s12 =	sadd.s32 s12, s6;
	[sflag:s7] =	ssyncadd.s32 $0xFFFFF800  }
0x25: {  	[tilespmem:s2], [sflag:$0x2] =	stream.linear.gather [hbm4b:s12+s2], $0x80, $0x38;
	[tilespmem:$0x880] =	vst v63  }
0x26: {  	_ =	swait.ge [sflag:s7], $0x80  }
0x27: {  	[sflag:s7] =	ssyncset.done $0x0  }
0x28: {  	[sflag:s7] =	ssyncadd.s32 $0xFFFFFF80  }
0x29: {  	[tilespmem:s8], [sflag:$0x1] =	stream.indirect.gather [hbm4b:s3+s8], $0x10, s2, s8, $0xb8;
	[tilespmem:$0x880] =	vst v63  }
0x2a: {  	s10 =	sadd.s32 $0x1, s10;
	_ =	swait.ge [sflag:s9], $0x800  }
0x2b: {  	p0 =	sne.s32 s10, s4;
	[sflag:s9] =	ssyncset.done $0x0  }
.Ltmp1:
0x2c: {  	[sflag:s9] =	ssyncadd.s32 $0xFFFFF800;
	(pc) =	sbr.rel @p0 .LBB2_1-.Ltmp1, $4  }
0x2d: {  	[hbm4b:s11+s2] =	stream.linear.scatter [tilespmem:s8], [sflag:$0x2], $0x800, $0x38;
	[tilespmem:$0x880] =	vst v63  }
0x2e: {  	_ =	swait.ge [sflag:s7], $0x800  }
0x2f: {  	[sflag:s7] =	ssyncset.done $0x0  }
0x30: {  	[sflag:s7] =	ssyncadd.s32 $0xFFFFF800  }
0x31: {  	_ =	sfence.sel $0x180000  }
0x32: {  	[bflag:$0x0] =	sbarrier.arrive $0xFFFF  }
0x33: {  	p0 =	sne.s32 s1, $0x0;
	_ =	strace $0x90000047  }
0x34: {  	s0 =	sadd.s32 @!p0 $0x100000, s0;
	[bflag:$0x2] =	sbarrier.arrive $0xFFFF  }
0x35: {  	[sflag:s0] =	ssyncadd.tile.s32 @!p0 $0x1;
	_ =	shalt  }
.Lfunc_end2:
_tile_overlayer_lowered:
.L_overlay_start_2:
0x36: {  	(tag) =	ssettag $0x2  }
0x37: {  	s0 =	rddreg [dreg:$0x0];
	s2 =	stileid.u32  }
0x38: {  	s1 =	rddreg [dreg:$0x1];
	p0 =	sne.s32 s2, $0x0  }
0x39: {  	s3 =	rddreg [dreg:$0x2];
	[bflag:$0x3] =	sbarrier.arrive $0xFFFF;
	s2 =	simm.s32 @!p0 $0x1C02  }
0x3a: {  	[timem:s3], [sflag:s2] =	dma.local @!p0 [hbm:s0], s1  }
0x3b: {  	s0 =	simm.s32 @!p0 $0x2  }
0x3c: {  	_ =	swait.ge @!p0 [sflag:s0], s1  }
0x3d: {  	s1 =	ssub.s32 @!p0 $0x0, s1;
	[sflag:s0] =	ssyncset.done @!p0 $0x0  }
0x3e: {  	[sflag:s0] =	ssyncadd.s32 @!p0 s1  }
0x3f: {  	[bflag:$0x3] =	sbarrier.arrive $0xFFFF  }
0x40: {  	_ =	shalt  }

</sc_bundles>
